<compile_context>
chip_gen: v7x
topology: tpu7x:2x2x1
jax: 0.10.2.dev20260603
libtpu: 0.0.44.dev20260713+nightly
codegen_flags: <defaults>
</compile_context>

<pallas_src>
import dataclasses
import functools

import jax
import jax.numpy as jnp
from jax import lax
from jax.experimental import pallas as pl
from jax.experimental.pallas import tpu as pltpu
from jax.experimental.pallas import tpu_sc as plsc

NUM_CORES = 2
NUM_SUBCORES = 16
NUM_WORKERS = NUM_CORES * NUM_SUBCORES
LANES = 16
NBUF = 4
ROW = 128


def kernel(token_ids, weights):
    B, S = token_ids.shape
    V, D = weights.shape
    chunk = B // NUM_WORKERS
    assert B % NUM_WORKERS == 0 and chunk == 128 and D == 64
    idx_t = token_ids.T.reshape(S, NUM_WORKERS, chunk).transpose(1, 0, 2)
    table_p = jnp.pad(weights, ((0, 0), (0, ROW - D)))

    mesh = plsc.VectorSubcoreMesh(core_axis_name="c", subcore_axis_name="s")
    cp = pltpu.CompilerParams()
    if "needs_layout_passes" in pltpu.CompilerParams.__dataclass_fields__:
        cp = dataclasses.replace(cp, needs_layout_passes=False)

    @functools.partial(
        pl.kernel,
        mesh=mesh,
        compiler_params=cp,
        out_type=jax.ShapeDtypeStruct((S, D, B), jnp.float32),
        scratch_types=[
            pltpu.VMEM((S, chunk), jnp.int32),
            pltpu.VMEM((NBUF, chunk, ROW), jnp.float32),
            pltpu.VMEM((2, D, chunk), jnp.float32),
            pltpu.SemaphoreType.DMA((NBUF,)),
            pltpu.SemaphoreType.DMA((2,)),
        ],
    )
    def gather_kernel(table_hbm, idx_hbm, out_hbm, idx_v, rows_v, out_v,
                      gsem, osem):
        wid = lax.axis_index("s") * NUM_CORES + lax.axis_index("c")
        b0 = wid * chunk
        iota = lax.iota(jnp.int32, LANES)

        def start_gather(j, b):
            pltpu.async_copy(table_hbm.at[idx_v.at[j]], rows_v.at[b],
                             gsem.at[b])

        pltpu.sync_copy(idx_hbm.at[wid], idx_v)
        for w in range(3):
            start_gather(w, w)

        @pl.loop(0, S, step=2)
        def _(j):
            for p in range(2):
                jj = j + p
                b = jj % NBUF
                pltpu.make_async_copy(table_hbm.at[idx_v.at[jj]],
                                      rows_v.at[b], gsem.at[b]).wait()
                @pl.when(jj + 3 < S)
                def _():
                    start_gather(jj + 3, (jj + 3) % NBUF)

                @pl.when(jj >= 2)
                def _():
                    pltpu.make_async_copy(
                        out_v.at[p], out_hbm.at[0, :, pl.ds(b0, chunk)],
                        osem.at[p]).wait()

                rows2 = rows_v.at[b]
                outp = out_v.at[p]
                @plsc.parallel_loop(0, D, unroll=4)
                def _(i):
                    dv = ((iota + i) & (LANES - 1)) + (i & ~(LANES - 1))
                    for tg in range(chunk // LANES):
                        tv = iota + (tg * LANES)
                        vals = plsc.load_gather(rows2, [tv, dv])
                        plsc.store_scatter(outp, [dv, tv], vals)

                pltpu.async_copy(out_v.at[p],
                                 out_hbm.at[jj, :, pl.ds(b0, chunk)],
                                 osem.at[p])

        for jj in (S - 2, S - 1):
            pltpu.make_async_copy(out_v.at[jj % 2],
                                  out_hbm.at[0, :, pl.ds(b0, chunk)],
                                  osem.at[jj % 2]).wait()

    out_t = gather_kernel(table_p, idx_t)
    return out_t.transpose(2, 0, 1)

# --- scband reference (transcript-rebuilt; emitter-appended) ---
"""Pipeline reference for scband-my-embedding-20091857011100 (READ-ONLY COPY).

The authoritative reference and input builder live on the scoring server;
editing this copy changes nothing except your own understanding.
"""

import jax, jax.numpy as jnp
import numpy as np

VOCAB_SIZE = 1000000
D_MODEL = 64


def setup_inputs(seed: int = 0) -> dict:
    key = jax.random.key(seed)
    k_idx, k_w = jax.random.split(key)
    token_ids = jax.random.randint(k_idx, (4096, 200), 0, VOCAB_SIZE, dtype=jnp.int64 if jax.config.jax_enable_x64 else jnp.int32)
    # weights initialized as normal(mean=-d_model**0.5, std=d_model**0.5) per torch init
    weights = jax.random.normal(k_w, (VOCAB_SIZE, D_MODEL), dtype=jnp.float32) * (D_MODEL ** 0.5) + (-(D_MODEL ** 0.5))
    return {"token_ids": token_ids, "weights": weights}


def reference(token_ids, weights):
    # Faithful translation of: self.weights[token_ids]
    return jnp.take(weights, token_ids, axis=0)

if __name__ == "__main__":
    import jax
    _d = setup_inputs()
    print(jax.jit(kernel)(*tuple(_d.values())))

</pallas_src>

<mosaic_0001>
#map = affine_map<(d0, d1) -> (0, 0)>
#map1 = affine_map<(d0, d1) -> (0, 0, 0)>
module attributes {stable_mosaic.version = 14 : i64} {
  func.func @gather_kernel(%arg0: i32, %arg1: i32, %arg2: memref<1000000x128xf32, #tpu.memory_space<hbm>>, %arg3: memref<32x200x128xi32, #tpu.memory_space<hbm>>, %arg4: memref<200x64x4096xf32, #tpu.memory_space<hbm>>, %arg5: memref<200x128xi32, #tpu.memory_space<vmem>>, %arg6: memref<4x128x128xf32, #tpu.memory_space<vmem>>, %arg7: memref<2x64x128xf32, #tpu.memory_space<vmem>>, %arg8: memref<4x!tpu.dma_semaphore, #tpu.memory_space<semaphore_mem>>, %arg9: memref<2x!tpu.dma_semaphore, #tpu.memory_space<semaphore_mem>>) attributes {dimension_semantics = [#tpu.dimension_semantics<core_parallel>, #tpu.dimension_semantics<subcore_parallel>], iteration_bounds = array<i64: 2, 16>, scalar_prefetch = 0 : i64, scratch_operands = 5 : i64, tpu.core_type = #tpu.core_type<sc_vector_subcore>, window_params = [{transform_indices = #map}, {transform_indices = #map1}, {transform_indices = #map1}]} {
    %mul3A = arith.constant 2 : i32
    %mul3A_0 = arith.muli %arg1, %mul3A : i32
    %add3A = arith.addi %mul3A_0, %arg0 : i32
    %mul3A_1 = arith.constant 128 : i32
    %mul3A_2 = arith.muli %add3A, %mul3A_1 : i32
    %iota3A = tpu.iota {dimensions = array<i32: 0>} : vector<16xi32>
    "tpu.region"() ({
      %run_scoped3A = tpu.sem_alloc : memref<!tpu.dma_semaphore, #tpu.memory_space<semaphore_mem>>
      %dma_start3A_88 = arith.constant 0 : i32
      %dma_start3A_89 = arith.constant 0 : i32
      %dma_start3A_90 = tpu.memref_slice %arg3[%add3A, %dma_start3A_88, %dma_start3A_89] : memref<32x200x128xi32, #tpu.memory_space<hbm>> -> memref<1x200x128xi32, #tpu.memory_space<hbm>>
      %dma_start3A_91 = tpu.memref_squeeze %dma_start3A_90 : memref<1x200x128xi32, #tpu.memory_space<hbm>> -> memref<200x128xi32, #tpu.memory_space<hbm>>
      %dma_start3A_92 = arith.constant 0 : i32
      %dma_start3A_93 = arith.constant 0 : i32
      %dma_start3A_94 = tpu.memref_slice %arg3[%add3A, %dma_start3A_92, %dma_start3A_93] : memref<32x200x128xi32, #tpu.memory_space<hbm>> -> memref<1x200x128xi32, #tpu.memory_space<hbm>>
      %dma_start3A_95 = tpu.memref_squeeze %dma_start3A_94 : memref<1x200x128xi32, #tpu.memory_space<hbm>> -> memref<200x128xi32, #tpu.memory_space<hbm>>
      tpu.enqueue_dma source(%dma_start3A_95 : memref<200x128xi32, #tpu.memory_space<hbm>>) target(%arg5 : memref<200x128xi32, #tpu.memory_space<vmem>>) target_semaphore(%run_scoped3A : memref<!tpu.dma_semaphore, #tpu.memory_space<semaphore_mem>>)
      %dma_wait3A_96 = arith.constant 0 : i32
      %dma_wait3A_97 = arith.constant 0 : i32
      %dma_wait3A_98 = tpu.memref_slice %arg3[%add3A, %dma_wait3A_96, %dma_wait3A_97] : memref<32x200x128xi32, #tpu.memory_space<hbm>> -> memref<1x200x128xi32, #tpu.memory_space<hbm>>
      %dma_wait3A_99 = tpu.memref_squeeze %dma_wait3A_98 : memref<1x200x128xi32, #tpu.memory_space<hbm>> -> memref<200x128xi32, #tpu.memory_space<hbm>>
      %dma_wait3A_100 = arith.constant 0 : i32
      %dma_wait3A_101 = arith.constant 0 : i32
      %dma_wait3A_102 = tpu.memref_slice %arg3[%add3A, %dma_wait3A_100, %dma_wait3A_101] : memref<32x200x128xi32, #tpu.memory_space<hbm>> -> memref<1x200x128xi32, #tpu.memory_space<hbm>>
      %dma_wait3A_103 = tpu.memref_squeeze %dma_wait3A_102 : memref<1x200x128xi32, #tpu.memory_space<hbm>> -> memref<200x128xi32, #tpu.memory_space<hbm>>
      tpu.wait_dma2 semaphore(%run_scoped3A : memref<!tpu.dma_semaphore, #tpu.memory_space<semaphore_mem>>) src(%dma_wait3A_103 : memref<200x128xi32, #tpu.memory_space<hbm>>) dst(%arg5 : memref<200x128xi32, #tpu.memory_space<vmem>>)
      tpu.yield
    }) : () -> ()
    %dma_start3A = arith.constant 0 : i32
    %dma_start3A_3 = arith.constant 0 : i32
    %dma_start3A_4 = arith.constant 0 : i32
    %dma_start3A_5 = arith.constant 0 : i32
    %dma_start3A_6 = arith.constant 0 : i32
    %dma_start3A_7 = tpu.memref_slice %arg6[%dma_start3A_3, %dma_start3A_5, %dma_start3A_6] : memref<4x128x128xf32, #tpu.memory_space<vmem>> -> memref<1x128x128xf32, #tpu.memory_space<vmem>>
    %dma_start3A_8 = tpu.memref_squeeze %dma_start3A_7 : memref<1x128x128xf32, #tpu.memory_space<vmem>> -> memref<128x128xf32, #tpu.memory_space<vmem>>
    %dma_start3A_9 = arith.constant 0 : i32
    %dma_start3A_10 = tpu.memref_slice %arg5[%dma_start3A, %dma_start3A_9] : memref<200x128xi32, #tpu.memory_space<vmem>> -> memref<1x128xi32, #tpu.memory_space<vmem>>
    %dma_start3A_11 = tpu.memref_squeeze %dma_start3A_10 : memref<1x128xi32, #tpu.memory_space<vmem>> -> memref<128xi32, #tpu.memory_space<vmem>>
    %dma_start3A_12 = arith.constant 0 : i32
    %dma_start3A_13 = arith.constant 0 : i32
    %dma_start3A_14 = tpu.memref_slice %arg2[%dma_start3A_12, %dma_start3A_13] : memref<1000000x128xf32, #tpu.memory_space<hbm>> -> memref<1000000x128xf32, #tpu.memory_space<hbm>>
    %dma_start3A_15 = tpu.memref_slice %arg8[%dma_start3A_4] : memref<4x!tpu.dma_semaphore, #tpu.memory_space<semaphore_mem>> -> memref<1x!tpu.dma_semaphore, #tpu.memory_space<semaphore_mem>>
    %dma_start3A_16 = tpu.memref_squeeze %dma_start3A_15 : memref<1x!tpu.dma_semaphore, #tpu.memory_space<semaphore_mem>> -> memref<!tpu.dma_semaphore, #tpu.memory_space<semaphore_mem>>
    tpu.enqueue_indirect_dma source(%dma_start3A_14 : memref<1000000x128xf32, #tpu.memory_space<hbm>>) target(%dma_start3A_8 : memref<128x128xf32, #tpu.memory_space<vmem>>) offsets(%dma_start3A_11 : memref<128xi32, #tpu.memory_space<vmem>>) semaphore(%dma_start3A_16 : memref<!tpu.dma_semaphore, #tpu.memory_space<semaphore_mem>>)
    %dma_start3A_17 = arith.constant 1 : i32
    %dma_start3A_18 = arith.constant 1 : i32
    %dma_start3A_19 = arith.constant 1 : i32
    %dma_start3A_20 = arith.constant 0 : i32
    %dma_start3A_21 = arith.constant 0 : i32
    %dma_start3A_22 = tpu.memref_slice %arg6[%dma_start3A_18, %dma_start3A_20, %dma_start3A_21] : memref<4x128x128xf32, #tpu.memory_space<vmem>> -> memref<1x128x128xf32, #tpu.memory_space<vmem>>
    %dma_start3A_23 = tpu.memref_squeeze %dma_start3A_22 : memref<1x128x128xf32, #tpu.memory_space<vmem>> -> memref<128x128xf32, #tpu.memory_space<vmem>>
    %dma_start3A_24 = arith.constant 0 : i32
    %dma_start3A_25 = tpu.memref_slice %arg5[%dma_start3A_17, %dma_start3A_24] : memref<200x128xi32, #tpu.memory_space<vmem>> -> memref<1x128xi32, #tpu.memory_space<vmem>>
    %dma_start3A_26 = tpu.memref_squeeze %dma_start3A_25 : memref<1x128xi32, #tpu.memory_space<vmem>> -> memref<128xi32, #tpu.memory_space<vmem>>
    %dma_start3A_27 = arith.constant 0 : i32
    %dma_start3A_28 = arith.constant 0 : i32
    %dma_start3A_29 = tpu.memref_slice %arg2[%dma_start3A_27, %dma_start3A_28] : memref<1000000x128xf32, #tpu.memory_space<hbm>> -> memref<1000000x128xf32, #tpu.memory_space<hbm>>
    %dma_start3A_30 = tpu.memref_slice %arg8[%dma_start3A_19] : memref<4x!tpu.dma_semaphore, #tpu.memory_space<semaphore_mem>> -> memref<1x!tpu.dma_semaphore, #tpu.memory_space<semaphore_mem>>
    %dma_start3A_31 = tpu.memref_squeeze %dma_start3A_30 : memref<1x!tpu.dma_semaphore, #tpu.memory_space<semaphore_mem>> -> memref<!tpu.dma_semaphore, #tpu.memory_space<semaphore_mem>>
    tpu.enqueue_indirect_dma source(%dma_start3A_29 : memref<1000000x128xf32, #tpu.memory_space<hbm>>) target(%dma_start3A_23 : memref<128x128xf32, #tpu.memory_space<vmem>>) offsets(%dma_start3A_26 : memref<128xi32, #tpu.memory_space<vmem>>) semaphore(%dma_start3A_31 : memref<!tpu.dma_semaphore, #tpu.memory_space<semaphore_mem>>)
    %dma_start3A_32 = arith.constant 2 : i32
    %dma_start3A_33 = arith.constant 2 : i32
    %dma_start3A_34 = arith.constant 2 : i32
    %dma_start3A_35 = arith.constant 0 : i32
    %dma_start3A_36 = arith.constant 0 : i32
    %dma_start3A_37 = tpu.memref_slice %arg6[%dma_start3A_33, %dma_start3A_35, %dma_start3A_36] : memref<4x128x128xf32, #tpu.memory_space<vmem>> -> memref<1x128x128xf32, #tpu.memory_space<vmem>>
    %dma_start3A_38 = tpu.memref_squeeze %dma_start3A_37 : memref<1x128x128xf32, #tpu.memory_space<vmem>> -> memref<128x128xf32, #tpu.memory_space<vmem>>
    %dma_start3A_39 = arith.constant 0 : i32
    %dma_start3A_40 = tpu.memref_slice %arg5[%dma_start3A_32, %dma_start3A_39] : memref<200x128xi32, #tpu.memory_space<vmem>> -> memref<1x128xi32, #tpu.memory_space<vmem>>
    %dma_start3A_41 = tpu.memref_squeeze %dma_start3A_40 : memref<1x128xi32, #tpu.memory_space<vmem>> -> memref<128xi32, #tpu.memory_space<vmem>>
    %dma_start3A_42 = arith.constant 0 : i32
    %dma_start3A_43 = arith.constant 0 : i32
    %dma_start3A_44 = tpu.memref_slice %arg2[%dma_start3A_42, %dma_start3A_43] : memref<1000000x128xf32, #tpu.memory_space<hbm>> -> memref<1000000x128xf32, #tpu.memory_space<hbm>>
    %dma_start3A_45 = tpu.memref_slice %arg8[%dma_start3A_34] : memref<4x!tpu.dma_semaphore, #tpu.memory_space<semaphore_mem>> -> memref<1x!tpu.dma_semaphore, #tpu.memory_space<semaphore_mem>>
    %dma_start3A_46 = tpu.memref_squeeze %dma_start3A_45 : memref<1x!tpu.dma_semaphore, #tpu.memory_space<semaphore_mem>> -> memref<!tpu.dma_semaphore, #tpu.memory_space<semaphore_mem>>
    tpu.enqueue_indirect_dma source(%dma_start3A_44 : memref<1000000x128xf32, #tpu.memory_space<hbm>>) target(%dma_start3A_38 : memref<128x128xf32, #tpu.memory_space<vmem>>) offsets(%dma_start3A_41 : memref<128xi32, #tpu.memory_space<vmem>>) semaphore(%dma_start3A_46 : memref<!tpu.dma_semaphore, #tpu.memory_space<semaphore_mem>>)
    %scan3A = arith.constant 0 : i32
    %scan3A_47 = arith.constant 100 : i32
    %scan3A_48 = arith.addi %scan3A, %scan3A_47 : i32
    %scan3A_49 = arith.constant 1 : i32
    scf.for %scan3A_88 = %scan3A to %scan3A_48 step %scan3A_49  : i32 {
      %mul3A_89 = arith.constant 2 : i32
      %mul3A_90 = arith.muli %scan3A_88, %mul3A_89 : i32
      %add3A_91 = arith.constant 0 : i32
      %add3A_92 = arith.addi %add3A_91, %mul3A_90 : i32
      %add3A_93 = arith.constant 0 : i32
      %add3A_94 = arith.addi %add3A_92, %add3A_93 : i32
      %jit3A = arith.constant 4 : i32
      %eq3A = arith.constant 0 : i32
      %eq3A_95 = arith.cmpi eq, %jit3A, %eq3A : i32
      %jit3A_96 = arith.constant 1 : i32
      %select_n3A = arith.select %eq3A_95, %jit3A_96, %jit3A : i32
      %rem3A = arith.remsi %add3A_94, %select_n3A : i32
      %ne3A = arith.constant 0 : i32
      %ne3A_97 = arith.cmpi ne, %rem3A, %ne3A : i32
      %lt3A = arith.constant 0 : i32
      %lt3A_98 = arith.cmpi slt, %rem3A, %lt3A : i32
      %lt3A_99 = arith.constant 0 : i32
      %lt3A_100 = arith.cmpi slt, %select_n3A, %lt3A_99 : i32
      %ne3A_101 = arith.xori %lt3A_98, %lt3A_100 : i1
      %and3A = arith.andi %ne3A_101, %ne3A_97 : i1
      %add3A_102 = arith.addi %rem3A, %select_n3A : i32
      %select_n3A_103 = arith.select %and3A, %add3A_102, %rem3A : i32
      %dma_wait3A_104 = arith.constant 0 : i32
      %dma_wait3A_105 = arith.constant 0 : i32
      %dma_wait3A_106 = tpu.memref_slice %arg6[%select_n3A_103, %dma_wait3A_104, %dma_wait3A_105] : memref<4x128x128xf32, #tpu.memory_space<vmem>> -> memref<1x128x128xf32, #tpu.memory_space<vmem>>
      %dma_wait3A_107 = tpu.memref_squeeze %dma_wait3A_106 : memref<1x128x128xf32, #tpu.memory_space<vmem>> -> memref<128x128xf32, #tpu.memory_space<vmem>>
      %dma_wait3A_108 = arith.constant 0 : i32
      %dma_wait3A_109 = tpu.memref_slice %arg5[%add3A_94, %dma_wait3A_108] : memref<200x128xi32, #tpu.memory_space<vmem>> -> memref<1x128xi32, #tpu.memory_space<vmem>>
      %dma_wait3A_110 = tpu.memref_squeeze %dma_wait3A_109 : memref<1x128xi32, #tpu.memory_space<vmem>> -> memref<128xi32, #tpu.memory_space<vmem>>
      %dma_wait3A_111 = arith.constant 0 : i32
      %dma_wait3A_112 = arith.constant 0 : i32
      %dma_wait3A_113 = tpu.memref_slice %arg2[%dma_wait3A_111, %dma_wait3A_112] : memref<1000000x128xf32, #tpu.memory_space<hbm>> -> memref<1000000x128xf32, #tpu.memory_space<hbm>>
      %dma_wait3A_114 = tpu.memref_slice %arg8[%select_n3A_103] : memref<4x!tpu.dma_semaphore, #tpu.memory_space<semaphore_mem>> -> memref<1x!tpu.dma_semaphore, #tpu.memory_space<semaphore_mem>>
      %dma_wait3A_115 = tpu.memref_squeeze %dma_wait3A_114 : memref<1x!tpu.dma_semaphore, #tpu.memory_space<semaphore_mem>> -> memref<!tpu.dma_semaphore, #tpu.memory_space<semaphore_mem>>
      tpu.wait_indirect_dma semaphore(%dma_wait3A_115 : memref<!tpu.dma_semaphore, #tpu.memory_space<semaphore_mem>>) src(%dma_wait3A_113 : memref<1000000x128xf32, #tpu.memory_space<hbm>>) dst(%dma_wait3A_107 : memref<128x128xf32, #tpu.memory_space<vmem>>)
      %add3A_116 = arith.constant 3 : i32
      %add3A_117 = arith.addi %add3A_94, %add3A_116 : i32
      %lt3A_118 = arith.constant 200 : i32
      %lt3A_119 = arith.cmpi slt, %add3A_117, %lt3A_118 : i32
      %convert_element_type3A = arith.extui %lt3A_119 : i1 to i32
      %cond3A = arith.constant 0 : i32
      %cond3A_120 = arith.cmpi ne, %convert_element_type3A, %cond3A : i32
      scf.if %cond3A_120 {
        %add3A_210 = arith.constant 3 : i32
        %add3A_211 = arith.addi %add3A_94, %add3A_210 : i32
        %add3A_212 = arith.constant 3 : i32
        %add3A_213 = arith.addi %add3A_94, %add3A_212 : i32
        %jit3A_214 = arith.constant 4 : i32
        %eq3A_215 = arith.constant 0 : i32
        %eq3A_216 = arith.cmpi eq, %jit3A_214, %eq3A_215 : i32
        %jit3A_217 = arith.constant 1 : i32
        %select_n3A_218 = arith.select %eq3A_216, %jit3A_217, %jit3A_214 : i32
        %rem3A_219 = arith.remsi %add3A_213, %select_n3A_218 : i32
        %ne3A_220 = arith.constant 0 : i32
        %ne3A_221 = arith.cmpi ne, %rem3A_219, %ne3A_220 : i32
        %lt3A_222 = arith.constant 0 : i32
        %lt3A_223 = arith.cmpi slt, %rem3A_219, %lt3A_222 : i32
        %lt3A_224 = arith.constant 0 : i32
        %lt3A_225 = arith.cmpi slt, %select_n3A_218, %lt3A_224 : i32
        %ne3A_226 = arith.xori %lt3A_223, %lt3A_225 : i1
        %and3A_227 = arith.andi %ne3A_226, %ne3A_221 : i1
        %add3A_228 = arith.addi %rem3A_219, %select_n3A_218 : i32
        %select_n3A_229 = arith.select %and3A_227, %add3A_228, %rem3A_219 : i32
        %dma_start3A_230 = arith.constant 0 : i32
        %dma_start3A_231 = arith.constant 0 : i32
        %dma_start3A_232 = tpu.memref_slice %arg6[%select_n3A_229, %dma_start3A_230, %dma_start3A_231] : memref<4x128x128xf32, #tpu.memory_space<vmem>> -> memref<1x128x128xf32, #tpu.memory_space<vmem>>
        %dma_start3A_233 = tpu.memref_squeeze %dma_start3A_232 : memref<1x128x128xf32, #tpu.memory_space<vmem>> -> memref<128x128xf32, #tpu.memory_space<vmem>>
        %dma_start3A_234 = arith.constant 0 : i32
        %dma_start3A_235 = tpu.memref_slice %arg5[%add3A_211, %dma_start3A_234] : memref<200x128xi32, #tpu.memory_space<vmem>> -> memref<1x128xi32, #tpu.memory_space<vmem>>
        %dma_start3A_236 = tpu.memref_squeeze %dma_start3A_235 : memref<1x128xi32, #tpu.memory_space<vmem>> -> memref<128xi32, #tpu.memory_space<vmem>>
        %dma_start3A_237 = arith.constant 0 : i32
        %dma_start3A_238 = arith.constant 0 : i32
        %dma_start3A_239 = tpu.memref_slice %arg2[%dma_start3A_237, %dma_start3A_238] : memref<1000000x128xf32, #tpu.memory_space<hbm>> -> memref<1000000x128xf32, #tpu.memory_space<hbm>>
        %dma_start3A_240 = tpu.memref_slice %arg8[%select_n3A_229] : memref<4x!tpu.dma_semaphore, #tpu.memory_space<semaphore_mem>> -> memref<1x!tpu.dma_semaphore, #tpu.memory_space<semaphore_mem>>
        %dma_start3A_241 = tpu.memref_squeeze %dma_start3A_240 : memref<1x!tpu.dma_semaphore, #tpu.memory_space<semaphore_mem>> -> memref<!tpu.dma_semaphore, #tpu.memory_space<semaphore_mem>>
        tpu.enqueue_indirect_dma source(%dma_start3A_239 : memref<1000000x128xf32, #tpu.memory_space<hbm>>) target(%dma_start3A_233 : memref<128x128xf32, #tpu.memory_space<vmem>>) offsets(%dma_start3A_236 : memref<128xi32, #tpu.memory_space<vmem>>) semaphore(%dma_start3A_241 : memref<!tpu.dma_semaphore, #tpu.memory_space<semaphore_mem>>)
      } else {
      }
      %ge3A = arith.constant 2 : i32
      %ge3A_121 = arith.cmpi sge, %add3A_94, %ge3A : i32
      %convert_element_type3A_122 = arith.extui %ge3A_121 : i1 to i32
      %cond3A_123 = arith.constant 0 : i32
      %cond3A_124 = arith.cmpi ne, %convert_element_type3A_122, %cond3A_123 : i32
      scf.if %cond3A_124 {
        %dma_wait3A_210 = arith.constant 0 : i32
        %dma_wait3A_211 = arith.constant 0 : i32
        %dma_wait3A_212 = arith.constant 0 : i32
        %dma_wait3A_213 = arith.constant 0 : i32
        %dma_wait3A_214 = arith.constant 0 : i32
        %dma_wait3A_215 = tpu.memref_slice %arg7[%dma_wait3A_210, %dma_wait3A_213, %dma_wait3A_214] : memref<2x64x128xf32, #tpu.memory_space<vmem>> -> memref<1x64x128xf32, #tpu.memory_space<vmem>>
        %dma_wait3A_216 = tpu.memref_squeeze %dma_wait3A_215 : memref<1x64x128xf32, #tpu.memory_space<vmem>> -> memref<64x128xf32, #tpu.memory_space<vmem>>
        %dma_wait3A_217 = arith.constant 0 : i32
        %dma_wait3A_218 = tpu.memref_slice %arg4[%dma_wait3A_211, %dma_wait3A_217, %mul3A_2] : memref<200x64x4096xf32, #tpu.memory_space<hbm>> -> memref<1x64x128xf32, #tpu.memory_space<hbm>>
        %dma_wait3A_219 = tpu.memref_squeeze %dma_wait3A_218 : memref<1x64x128xf32, #tpu.memory_space<hbm>> -> memref<64x128xf32, #tpu.memory_space<hbm>>
        %dma_wait3A_220 = tpu.memref_slice %arg9[%dma_wait3A_212] : memref<2x!tpu.dma_semaphore, #tpu.memory_space<semaphore_mem>> -> memref<1x!tpu.dma_semaphore, #tpu.memory_space<semaphore_mem>>
        %dma_wait3A_221 = tpu.memref_squeeze %dma_wait3A_220 : memref<1x!tpu.dma_semaphore, #tpu.memory_space<semaphore_mem>> -> memref<!tpu.dma_semaphore, #tpu.memory_space<semaphore_mem>>
        %dma_wait3A_222 = arith.constant 0 : i32
        %dma_wait3A_223 = tpu.memref_slice %arg4[%dma_wait3A_211, %dma_wait3A_222, %mul3A_2] : memref<200x64x4096xf32, #tpu.memory_space<hbm>> -> memref<1x64x128xf32, #tpu.memory_space<hbm>>
        %dma_wait3A_224 = tpu.memref_squeeze %dma_wait3A_223 : memref<1x64x128xf32, #tpu.memory_space<hbm>> -> memref<64x128xf32, #tpu.memory_space<hbm>>
        %dma_wait3A_225 = arith.constant 0 : i32
        %dma_wait3A_226 = arith.constant 0 : i32
        %dma_wait3A_227 = tpu.memref_slice %arg7[%dma_wait3A_210, %dma_wait3A_225, %dma_wait3A_226] : memref<2x64x128xf32, #tpu.memory_space<vmem>> -> memref<1x64x128xf32, #tpu.memory_space<vmem>>
        %dma_wait3A_228 = tpu.memref_squeeze %dma_wait3A_227 : memref<1x64x128xf32, #tpu.memory_space<vmem>> -> memref<64x128xf32, #tpu.memory_space<vmem>>
        tpu.wait_dma2 semaphore(%dma_wait3A_221 : memref<!tpu.dma_semaphore, #tpu.memory_space<semaphore_mem>>) src(%dma_wait3A_228 : memref<64x128xf32, #tpu.memory_space<vmem>>) dst(%dma_wait3A_224 : memref<64x128xf32, #tpu.memory_space<hbm>>)
      } else {
      }
      %parallel_loop3A = arith.constant 0 : i32
      %parallel_loop3A_125 = arith.constant 64 : i32
      %parallel_loop3A_126 = arith.constant 1 : i32
      %parallel_loop3A_127 = arith.constant 0 : i32
      scf.for %parallel_loop3A_210 = %parallel_loop3A to %parallel_loop3A_125 step %parallel_loop3A_126  : i32 {
        %parallel_loop3A_211 = vector.broadcast %parallel_loop3A_210 : i32 to vector<16xi32>
        %parallel_loop3A_212 = arith.addi %iota3A, %parallel_loop3A_211 : vector<16xi32>
        %parallel_loop3A_213 = arith.constant 15 : i32
        %parallel_loop3A_214 = vector.broadcast %parallel_loop3A_213 : i32 to vector<16xi32>
        %parallel_loop3A_215 = arith.andi %parallel_loop3A_212, %parallel_loop3A_214 : vector<16xi32>
        %parallel_loop3A_216 = arith.constant -16 : i32
        %parallel_loop3A_217 = arith.andi %parallel_loop3A_210, %parallel_loop3A_216 : i32
        %parallel_loop3A_218 = vector.broadcast %parallel_loop3A_217 : i32 to vector<16xi32>
        %parallel_loop3A_219 = arith.addi %parallel_loop3A_215, %parallel_loop3A_218 : vector<16xi32>
        %parallel_loop3A_220 = arith.constant 0 : i32
        %parallel_loop3A_221 = vector.broadcast %parallel_loop3A_220 : i32 to vector<16xi32>
        %parallel_loop3A_222 = arith.addi %iota3A, %parallel_loop3A_221 : vector<16xi32>
        %parallel_loop3A_223 = arith.constant 0 : i32
        %parallel_loop3A_224 = arith.constant 0 : i32
        %parallel_loop3A_225 = tpu.memref_slice %arg6[%select_n3A_103, %parallel_loop3A_223, %parallel_loop3A_224] : memref<4x128x128xf32, #tpu.memory_space<vmem>> -> memref<1x128x128xf32, #tpu.memory_space<vmem>>
        %parallel_loop3A_226 = tpu.memref_squeeze %parallel_loop3A_225 : memref<1x128x128xf32, #tpu.memory_space<vmem>> -> memref<128x128xf32, #tpu.memory_space<vmem>>
        %parallel_loop3A_227 = tpu.vector_load_idx %parallel_loop3A_226[%parallel_loop3A_222, %parallel_loop3A_219] : memref<128x128xf32, #tpu.memory_space<vmem>>[vector<16xi32>, vector<16xi32>], vector<16xf32>,
        %parallel_loop3A_228 = arith.constant 0 : i32
        %parallel_loop3A_229 = arith.constant 0 : i32
        %parallel_loop3A_230 = tpu.memref_slice %arg7[%parallel_loop3A_127, %parallel_loop3A_228, %parallel_loop3A_229] : memref<2x64x128xf32, #tpu.memory_space<vmem>> -> memref<1x64x128xf32, #tpu.memory_space<vmem>>
        %parallel_loop3A_231 = tpu.memref_squeeze %parallel_loop3A_230 : memref<1x64x128xf32, #tpu.memory_space<vmem>> -> memref<64x128xf32, #tpu.memory_space<vmem>>
        tpu.vector_store_idx %parallel_loop3A_231[%parallel_loop3A_219, %parallel_loop3A_222], %parallel_loop3A_227 : memref<64x128xf32, #tpu.memory_space<vmem>>[vector<16xi32>, vector<16xi32>], vector<16xf32>,
        %parallel_loop3A_232 = arith.constant 16 : i32
        %parallel_loop3A_233 = vector.broadcast %parallel_loop3A_232 : i32 to vector<16xi32>
        %parallel_loop3A_234 = arith.addi %iota3A, %parallel_loop3A_233 : vector<16xi32>
        %parallel_loop3A_235 = arith.constant 0 : i32
        %parallel_loop3A_236 = arith.constant 0 : i32
        %parallel_loop3A_237 = tpu.memref_slice %arg6[%select_n3A_103, %parallel_loop3A_235, %parallel_loop3A_236] : memref<4x128x128xf32, #tpu.memory_space<vmem>> -> memref<1x128x128xf32, #tpu.memory_space<vmem>>
        %parallel_loop3A_238 = tpu.memref_squeeze %parallel_loop3A_237 : memref<1x128x128xf32, #tpu.memory_space<vmem>> -> memref<128x128xf32, #tpu.memory_space<vmem>>
        %parallel_loop3A_239 = tpu.vector_load_idx %parallel_loop3A_238[%parallel_loop3A_234, %parallel_loop3A_219] : memref<128x128xf32, #tpu.memory_space<vmem>>[vector<16xi32>, vector<16xi32>], vector<16xf32>,
        %parallel_loop3A_240 = arith.constant 0 : i32
        %parallel_loop3A_241 = arith.constant 0 : i32
        %parallel_loop3A_242 = tpu.memref_slice %arg7[%parallel_loop3A_127, %parallel_loop3A_240, %parallel_loop3A_241] : memref<2x64x128xf32, #tpu.memory_space<vmem>> -> memref<1x64x128xf32, #tpu.memory_space<vmem>>
        %parallel_loop3A_243 = tpu.memref_squeeze %parallel_loop3A_242 : memref<1x64x128xf32, #tpu.memory_space<vmem>> -> memref<64x128xf32, #tpu.memory_space<vmem>>
        tpu.vector_store_idx %parallel_loop3A_243[%parallel_loop3A_219, %parallel_loop3A_234], %parallel_loop3A_239 : memref<64x128xf32, #tpu.memory_space<vmem>>[vector<16xi32>, vector<16xi32>], vector<16xf32>,
        %parallel_loop3A_244 = arith.constant 32 : i32
        %parallel_loop3A_245 = vector.broadcast %parallel_loop3A_244 : i32 to vector<16xi32>
        %parallel_loop3A_246 = arith.addi %iota3A, %parallel_loop3A_245 : vector<16xi32>
        %parallel_loop3A_247 = arith.constant 0 : i32
        %parallel_loop3A_248 = arith.constant 0 : i32
        %parallel_loop3A_249 = tpu.memref_slice %arg6[%select_n3A_103, %parallel_loop3A_247, %parallel_loop3A_248] : memref<4x128x128xf32, #tpu.memory_space<vmem>> -> memref<1x128x128xf32, #tpu.memory_space<vmem>>
        %parallel_loop3A_250 = tpu.memref_squeeze %parallel_loop3A_249 : memref<1x128x128xf32, #tpu.memory_space<vmem>> -> memref<128x128xf32, #tpu.memory_space<vmem>>
        %parallel_loop3A_251 = tpu.vector_load_idx %parallel_loop3A_250[%parallel_loop3A_246, %parallel_loop3A_219] : memref<128x128xf32, #tpu.memory_space<vmem>>[vector<16xi32>, vector<16xi32>], vector<16xf32>,
        %parallel_loop3A_252 = arith.constant 0 : i32
        %parallel_loop3A_253 = arith.constant 0 : i32
        %parallel_loop3A_254 = tpu.memref_slice %arg7[%parallel_loop3A_127, %parallel_loop3A_252, %parallel_loop3A_253] : memref<2x64x128xf32, #tpu.memory_space<vmem>> -> memref<1x64x128xf32, #tpu.memory_space<vmem>>
        %parallel_loop3A_255 = tpu.memref_squeeze %parallel_loop3A_254 : memref<1x64x128xf32, #tpu.memory_space<vmem>> -> memref<64x128xf32, #tpu.memory_space<vmem>>
        tpu.vector_store_idx %parallel_loop3A_255[%parallel_loop3A_219, %parallel_loop3A_246], %parallel_loop3A_251 : memref<64x128xf32, #tpu.memory_space<vmem>>[vector<16xi32>, vector<16xi32>], vector<16xf32>,
        %parallel_loop3A_256 = arith.constant 48 : i32
        %parallel_loop3A_257 = vector.broadcast %parallel_loop3A_256 : i32 to vector<16xi32>
        %parallel_loop3A_258 = arith.addi %iota3A, %parallel_loop3A_257 : vector<16xi32>
        %parallel_loop3A_259 = arith.constant 0 : i32
        %parallel_loop3A_260 = arith.constant 0 : i32
        %parallel_loop3A_261 = tpu.memref_slice %arg6[%select_n3A_103, %parallel_loop3A_259, %parallel_loop3A_260] : memref<4x128x128xf32, #tpu.memory_space<vmem>> -> memref<1x128x128xf32, #tpu.memory_space<vmem>>
        %parallel_loop3A_262 = tpu.memref_squeeze %parallel_loop3A_261 : memref<1x128x128xf32, #tpu.memory_space<vmem>> -> memref<128x128xf32, #tpu.memory_space<vmem>>
        %parallel_loop3A_263 = tpu.vector_load_idx %parallel_loop3A_262[%parallel_loop3A_258, %parallel_loop3A_219] : memref<128x128xf32, #tpu.memory_space<vmem>>[vector<16xi32>, vector<16xi32>], vector<16xf32>,
        %parallel_loop3A_264 = arith.constant 0 : i32
        %parallel_loop3A_265 = arith.constant 0 : i32
        %parallel_loop3A_266 = tpu.memref_slice %arg7[%parallel_loop3A_127, %parallel_loop3A_264, %parallel_loop3A_265] : memref<2x64x128xf32, #tpu.memory_space<vmem>> -> memref<1x64x128xf32, #tpu.memory_space<vmem>>
        %parallel_loop3A_267 = tpu.memref_squeeze %parallel_loop3A_266 : memref<1x64x128xf32, #tpu.memory_space<vmem>> -> memref<64x128xf32, #tpu.memory_space<vmem>>
        tpu.vector_store_idx %parallel_loop3A_267[%parallel_loop3A_219, %parallel_loop3A_258], %parallel_loop3A_263 : memref<64x128xf32, #tpu.memory_space<vmem>>[vector<16xi32>, vector<16xi32>], vector<16xf32>,
        %parallel_loop3A_268 = arith.constant 64 : i32
        %parallel_loop3A_269 = vector.broadcast %parallel_loop3A_268 : i32 to vector<16xi32>
        %parallel_loop3A_270 = arith.addi %iota3A, %parallel_loop3A_269 : vector<16xi32>
        %parallel_loop3A_271 = arith.constant 0 : i32
        %parallel_loop3A_272 = arith.constant 0 : i32
        %parallel_loop3A_273 = tpu.memref_slice %arg6[%select_n3A_103, %parallel_loop3A_271, %parallel_loop3A_272] : memref<4x128x128xf32, #tpu.memory_space<vmem>> -> memref<1x128x128xf32, #tpu.memory_space<vmem>>
        %parallel_loop3A_274 = tpu.memref_squeeze %parallel_loop3A_273 : memref<1x128x128xf32, #tpu.memory_space<vmem>> -> memref<128x128xf32, #tpu.memory_space<vmem>>
        %parallel_loop3A_275 = tpu.vector_load_idx %parallel_loop3A_274[%parallel_loop3A_270, %parallel_loop3A_219] : memref<128x128xf32, #tpu.memory_space<vmem>>[vector<16xi32>, vector<16xi32>], vector<16xf32>,
        %parallel_loop3A_276 = arith.constant 0 : i32
        %parallel_loop3A_277 = arith.constant 0 : i32
        %parallel_loop3A_278 = tpu.memref_slice %arg7[%parallel_loop3A_127, %parallel_loop3A_276, %parallel_loop3A_277] : memref<2x64x128xf32, #tpu.memory_space<vmem>> -> memref<1x64x128xf32, #tpu.memory_space<vmem>>
        %parallel_loop3A_279 = tpu.memref_squeeze %parallel_loop3A_278 : memref<1x64x128xf32, #tpu.memory_space<vmem>> -> memref<64x128xf32, #tpu.memory_space<vmem>>
        tpu.vector_store_idx %parallel_loop3A_279[%parallel_loop3A_219, %parallel_loop3A_270], %parallel_loop3A_275 : memref<64x128xf32, #tpu.memory_space<vmem>>[vector<16xi32>, vector<16xi32>], vector<16xf32>,
        %parallel_loop3A_280 = arith.constant 80 : i32
        %parallel_loop3A_281 = vector.broadcast %parallel_loop3A_280 : i32 to vector<16xi32>
        %parallel_loop3A_282 = arith.addi %iota3A, %parallel_loop3A_281 : vector<16xi32>
        %parallel_loop3A_283 = arith.constant 0 : i32
        %parallel_loop3A_284 = arith.constant 0 : i32
        %parallel_loop3A_285 = tpu.memref_slice %arg6[%select_n3A_103, %parallel_loop3A_283, %parallel_loop3A_284] : memref<4x128x128xf32, #tpu.memory_space<vmem>> -> memref<1x128x128xf32, #tpu.memory_space<vmem>>
        %parallel_loop3A_286 = tpu.memref_squeeze %parallel_loop3A_285 : memref<1x128x128xf32, #tpu.memory_space<vmem>> -> memref<128x128xf32, #tpu.memory_space<vmem>>
        %parallel_loop3A_287 = tpu.vector_load_idx %parallel_loop3A_286[%parallel_loop3A_282, %parallel_loop3A_219] : memref<128x128xf32, #tpu.memory_space<vmem>>[vector<16xi32>, vector<16xi32>], vector<16xf32>,
        %parallel_loop3A_288 = arith.constant 0 : i32
        %parallel_loop3A_289 = arith.constant 0 : i32
        %parallel_loop3A_290 = tpu.memref_slice %arg7[%parallel_loop3A_127, %parallel_loop3A_288, %parallel_loop3A_289] : memref<2x64x128xf32, #tpu.memory_space<vmem>> -> memref<1x64x128xf32, #tpu.memory_space<vmem>>
        %parallel_loop3A_291 = tpu.memref_squeeze %parallel_loop3A_290 : memref<1x64x128xf32, #tpu.memory_space<vmem>> -> memref<64x128xf32, #tpu.memory_space<vmem>>
        tpu.vector_store_idx %parallel_loop3A_291[%parallel_loop3A_219, %parallel_loop3A_282], %parallel_loop3A_287 : memref<64x128xf32, #tpu.memory_space<vmem>>[vector<16xi32>, vector<16xi32>], vector<16xf32>,
        %parallel_loop3A_292 = arith.constant 96 : i32
        %parallel_loop3A_293 = vector.broadcast %parallel_loop3A_292 : i32 to vector<16xi32>
        %parallel_loop3A_294 = arith.addi %iota3A, %parallel_loop3A_293 : vector<16xi32>
        %parallel_loop3A_295 = arith.constant 0 : i32
        %parallel_loop3A_296 = arith.constant 0 : i32
        %parallel_loop3A_297 = tpu.memref_slice %arg6[%select_n3A_103, %parallel_loop3A_295, %parallel_loop3A_296] : memref<4x128x128xf32, #tpu.memory_space<vmem>> -> memref<1x128x128xf32, #tpu.memory_space<vmem>>
        %parallel_loop3A_298 = tpu.memref_squeeze %parallel_loop3A_297 : memref<1x128x128xf32, #tpu.memory_space<vmem>> -> memref<128x128xf32, #tpu.memory_space<vmem>>
        %parallel_loop3A_299 = tpu.vector_load_idx %parallel_loop3A_298[%parallel_loop3A_294, %parallel_loop3A_219] : memref<128x128xf32, #tpu.memory_space<vmem>>[vector<16xi32>, vector<16xi32>], vector<16xf32>,
        %parallel_loop3A_300 = arith.constant 0 : i32
        %parallel_loop3A_301 = arith.constant 0 : i32
        %parallel_loop3A_302 = tpu.memref_slice %arg7[%parallel_loop3A_127, %parallel_loop3A_300, %parallel_loop3A_301] : memref<2x64x128xf32, #tpu.memory_space<vmem>> -> memref<1x64x128xf32, #tpu.memory_space<vmem>>
        %parallel_loop3A_303 = tpu.memref_squeeze %parallel_loop3A_302 : memref<1x64x128xf32, #tpu.memory_space<vmem>> -> memref<64x128xf32, #tpu.memory_space<vmem>>
        tpu.vector_store_idx %parallel_loop3A_303[%parallel_loop3A_219, %parallel_loop3A_294], %parallel_loop3A_299 : memref<64x128xf32, #tpu.memory_space<vmem>>[vector<16xi32>, vector<16xi32>], vector<16xf32>,
        %parallel_loop3A_304 = arith.constant 112 : i32
        %parallel_loop3A_305 = vector.broadcast %parallel_loop3A_304 : i32 to vector<16xi32>
        %parallel_loop3A_306 = arith.addi %iota3A, %parallel_loop3A_305 : vector<16xi32>
        %parallel_loop3A_307 = arith.constant 0 : i32
        %parallel_loop3A_308 = arith.constant 0 : i32
        %parallel_loop3A_309 = tpu.memref_slice %arg6[%select_n3A_103, %parallel_loop3A_307, %parallel_loop3A_308] : memref<4x128x128xf32, #tpu.memory_space<vmem>> -> memref<1x128x128xf32, #tpu.memory_space<vmem>>
        %parallel_loop3A_310 = tpu.memref_squeeze %parallel_loop3A_309 : memref<1x128x128xf32, #tpu.memory_space<vmem>> -> memref<128x128xf32, #tpu.memory_space<vmem>>
        %parallel_loop3A_311 = tpu.vector_load_idx %parallel_loop3A_310[%parallel_loop3A_306, %parallel_loop3A_219] : memref<128x128xf32, #tpu.memory_space<vmem>>[vector<16xi32>, vector<16xi32>], vector<16xf32>,
        %parallel_loop3A_312 = arith.constant 0 : i32
        %parallel_loop3A_313 = arith.constant 0 : i32
        %parallel_loop3A_314 = tpu.memref_slice %arg7[%parallel_loop3A_127, %parallel_loop3A_312, %parallel_loop3A_313] : memref<2x64x128xf32, #tpu.memory_space<vmem>> -> memref<1x64x128xf32, #tpu.memory_space<vmem>>
        %parallel_loop3A_315 = tpu.memref_squeeze %parallel_loop3A_314 : memref<1x64x128xf32, #tpu.memory_space<vmem>> -> memref<64x128xf32, #tpu.memory_space<vmem>>
        tpu.vector_store_idx %parallel_loop3A_315[%parallel_loop3A_219, %parallel_loop3A_306], %parallel_loop3A_311 : memref<64x128xf32, #tpu.memory_space<vmem>>[vector<16xi32>, vector<16xi32>], vector<16xf32>,
      } {sc.loop_unroll_factor = 4 : i64, sc.parallel_access}
      %dma_start3A_128 = arith.constant 0 : i32
      %dma_start3A_129 = arith.constant 0 : i32
      %dma_start3A_130 = arith.constant 0 : i32
      %dma_start3A_131 = arith.constant 0 : i32
      %dma_start3A_132 = tpu.memref_slice %arg7[%dma_start3A_128, %dma_start3A_130, %dma_start3A_131] : memref<2x64x128xf32, #tpu.memory_space<vmem>> -> memref<1x64x128xf32, #tpu.memory_space<vmem>>
      %dma_start3A_133 = tpu.memref_squeeze %dma_start3A_132 : memref<1x64x128xf32, #tpu.memory_space<vmem>> -> memref<64x128xf32, #tpu.memory_space<vmem>>
      %dma_start3A_134 = arith.constant 0 : i32
      %dma_start3A_135 = tpu.memref_slice %arg4[%add3A_94, %dma_start3A_134, %mul3A_2] : memref<200x64x4096xf32, #tpu.memory_space<hbm>> -> memref<1x64x128xf32, #tpu.memory_space<hbm>>
      %dma_start3A_136 = tpu.memref_squeeze %dma_start3A_135 : memref<1x64x128xf32, #tpu.memory_space<hbm>> -> memref<64x128xf32, #tpu.memory_space<hbm>>
      %dma_start3A_137 = tpu.memref_slice %arg9[%dma_start3A_129] : memref<2x!tpu.dma_semaphore, #tpu.memory_space<semaphore_mem>> -> memref<1x!tpu.dma_semaphore, #tpu.memory_space<semaphore_mem>>
      %dma_start3A_138 = tpu.memref_squeeze %dma_start3A_137 : memref<1x!tpu.dma_semaphore, #tpu.memory_space<semaphore_mem>> -> memref<!tpu.dma_semaphore, #tpu.memory_space<semaphore_mem>>
      %dma_start3A_139 = arith.constant 0 : i32
      %dma_start3A_140 = tpu.memref_slice %arg4[%add3A_94, %dma_start3A_139, %mul3A_2] : memref<200x64x4096xf32, #tpu.memory_space<hbm>> -> memref<1x64x128xf32, #tpu.memory_space<hbm>>
      %dma_start3A_141 = tpu.memref_squeeze %dma_start3A_140 : memref<1x64x128xf32, #tpu.memory_space<hbm>> -> memref<64x128xf32, #tpu.memory_space<hbm>>
      %dma_start3A_142 = arith.constant 0 : i32
      %dma_start3A_143 = arith.constant 0 : i32
      %dma_start3A_144 = tpu.memref_slice %arg7[%dma_start3A_128, %dma_start3A_142, %dma_start3A_143] : memref<2x64x128xf32, #tpu.memory_space<vmem>> -> memref<1x64x128xf32, #tpu.memory_space<vmem>>
      %dma_start3A_145 = tpu.memref_squeeze %dma_start3A_144 : memref<1x64x128xf32, #tpu.memory_space<vmem>> -> memref<64x128xf32, #tpu.memory_space<vmem>>
      tpu.enqueue_dma source(%dma_start3A_145 : memref<64x128xf32, #tpu.memory_space<vmem>>) target(%dma_start3A_141 : memref<64x128xf32, #tpu.memory_space<hbm>>) target_semaphore(%dma_start3A_138 : memref<!tpu.dma_semaphore, #tpu.memory_space<semaphore_mem>>)
      %add3A_146 = arith.constant 1 : i32
      %add3A_147 = arith.addi %add3A_92, %add3A_146 : i32
      %jit3A_148 = arith.constant 4 : i32
      %eq3A_149 = arith.constant 0 : i32
      %eq3A_150 = arith.cmpi eq, %jit3A_148, %eq3A_149 : i32
      %jit3A_151 = arith.constant 1 : i32
      %select_n3A_152 = arith.select %eq3A_150, %jit3A_151, %jit3A_148 : i32
      %rem3A_153 = arith.remsi %add3A_147, %select_n3A_152 : i32
      %ne3A_154 = arith.constant 0 : i32
      %ne3A_155 = arith.cmpi ne, %rem3A_153, %ne3A_154 : i32
      %lt3A_156 = arith.constant 0 : i32
      %lt3A_157 = arith.cmpi slt, %rem3A_153, %lt3A_156 : i32
      %lt3A_158 = arith.constant 0 : i32
      %lt3A_159 = arith.cmpi slt, %select_n3A_152, %lt3A_158 : i32
      %ne3A_160 = arith.xori %lt3A_157, %lt3A_159 : i1
      %and3A_161 = arith.andi %ne3A_160, %ne3A_155 : i1
      %add3A_162 = arith.addi %rem3A_153, %select_n3A_152 : i32
      %select_n3A_163 = arith.select %and3A_161, %add3A_162, %rem3A_153 : i32
      %dma_wait3A_164 = arith.constant 0 : i32
      %dma_wait3A_165 = arith.constant 0 : i32
      %dma_wait3A_166 = tpu.memref_slice %arg6[%select_n3A_163, %dma_wait3A_164, %dma_wait3A_165] : memref<4x128x128xf32, #tpu.memory_space<vmem>> -> memref<1x128x128xf32, #tpu.memory_space<vmem>>
      %dma_wait3A_167 = tpu.memref_squeeze %dma_wait3A_166 : memref<1x128x128xf32, #tpu.memory_space<vmem>> -> memref<128x128xf32, #tpu.memory_space<vmem>>
      %dma_wait3A_168 = arith.constant 0 : i32
      %dma_wait3A_169 = tpu.memref_slice %arg5[%add3A_147, %dma_wait3A_168] : memref<200x128xi32, #tpu.memory_space<vmem>> -> memref<1x128xi32, #tpu.memory_space<vmem>>
      %dma_wait3A_170 = tpu.memref_squeeze %dma_wait3A_169 : memref<1x128xi32, #tpu.memory_space<vmem>> -> memref<128xi32, #tpu.memory_space<vmem>>
      %dma_wait3A_171 = arith.constant 0 : i32
      %dma_wait3A_172 = arith.constant 0 : i32
      %dma_wait3A_173 = tpu.memref_slice %arg2[%dma_wait3A_171, %dma_wait3A_172] : memref<1000000x128xf32, #tpu.memory_space<hbm>> -> memref<1000000x128xf32, #tpu.memory_space<hbm>>
      %dma_wait3A_174 = tpu.memref_slice %arg8[%select_n3A_163] : memref<4x!tpu.dma_semaphore, #tpu.memory_space<semaphore_mem>> -> memref<1x!tpu.dma_semaphore, #tpu.memory_space<semaphore_mem>>
      %dma_wait3A_175 = tpu.memref_squeeze %dma_wait3A_174 : memref<1x!tpu.dma_semaphore, #tpu.memory_space<semaphore_mem>> -> memref<!tpu.dma_semaphore, #tpu.memory_space<semaphore_mem>>
      tpu.wait_indirect_dma semaphore(%dma_wait3A_175 : memref<!tpu.dma_semaphore, #tpu.memory_space<semaphore_mem>>) src(%dma_wait3A_173 : memref<1000000x128xf32, #tpu.memory_space<hbm>>) dst(%dma_wait3A_167 : memref<128x128xf32, #tpu.memory_space<vmem>>)
      %add3A_176 = arith.constant 3 : i32
      %add3A_177 = arith.addi %add3A_147, %add3A_176 : i32
      %lt3A_178 = arith.constant 200 : i32
      %lt3A_179 = arith.cmpi slt, %add3A_177, %lt3A_178 : i32
      %convert_element_type3A_180 = arith.extui %lt3A_179 : i1 to i32
      %cond3A_181 = arith.constant 0 : i32
      %cond3A_182 = arith.cmpi ne, %convert_element_type3A_180, %cond3A_181 : i32
      scf.if %cond3A_182 {
        %add3A_210 = arith.constant 3 : i32
        %add3A_211 = arith.addi %add3A_147, %add3A_210 : i32
        %add3A_212 = arith.constant 3 : i32
        %add3A_213 = arith.addi %add3A_147, %add3A_212 : i32
        %jit3A_214 = arith.constant 4 : i32
        %eq3A_215 = arith.constant 0 : i32
        %eq3A_216 = arith.cmpi eq, %jit3A_214, %eq3A_215 : i32
        %jit3A_217 = arith.constant 1 : i32
        %select_n3A_218 = arith.select %eq3A_216, %jit3A_217, %jit3A_214 : i32
        %rem3A_219 = arith.remsi %add3A_213, %select_n3A_218 : i32
        %ne3A_220 = arith.constant 0 : i32
        %ne3A_221 = arith.cmpi ne, %rem3A_219, %ne3A_220 : i32
        %lt3A_222 = arith.constant 0 : i32
        %lt3A_223 = arith.cmpi slt, %rem3A_219, %lt3A_222 : i32
        %lt3A_224 = arith.constant 0 : i32
        %lt3A_225 = arith.cmpi slt, %select_n3A_218, %lt3A_224 : i32
        %ne3A_226 = arith.xori %lt3A_223, %lt3A_225 : i1
        %and3A_227 = arith.andi %ne3A_226, %ne3A_221 : i1
        %add3A_228 = arith.addi %rem3A_219, %select_n3A_218 : i32
        %select_n3A_229 = arith.select %and3A_227, %add3A_228, %rem3A_219 : i32
        %dma_start3A_230 = arith.constant 0 : i32
        %dma_start3A_231 = arith.constant 0 : i32
        %dma_start3A_232 = tpu.memref_slice %arg6[%select_n3A_229, %dma_start3A_230, %dma_start3A_231] : memref<4x128x128xf32, #tpu.memory_space<vmem>> -> memref<1x128x128xf32, #tpu.memory_space<vmem>>
        %dma_start3A_233 = tpu.memref_squeeze %dma_start3A_232 : memref<1x128x128xf32, #tpu.memory_space<vmem>> -> memref<128x128xf32, #tpu.memory_space<vmem>>
        %dma_start3A_234 = arith.constant 0 : i32
        %dma_start3A_235 = tpu.memref_slice %arg5[%add3A_211, %dma_start3A_234] : memref<200x128xi32, #tpu.memory_space<vmem>> -> memref<1x128xi32, #tpu.memory_space<vmem>>
        %dma_start3A_236 = tpu.memref_squeeze %dma_start3A_235 : memref<1x128xi32, #tpu.memory_space<vmem>> -> memref<128xi32, #tpu.memory_space<vmem>>
        %dma_start3A_237 = arith.constant 0 : i32
        %dma_start3A_238 = arith.constant 0 : i32
        %dma_start3A_239 = tpu.memref_slice %arg2[%dma_start3A_237, %dma_start3A_238] : memref<1000000x128xf32, #tpu.memory_space<hbm>> -> memref<1000000x128xf32, #tpu.memory_space<hbm>>
        %dma_start3A_240 = tpu.memref_slice %arg8[%select_n3A_229] : memref<4x!tpu.dma_semaphore, #tpu.memory_space<semaphore_mem>> -> memref<1x!tpu.dma_semaphore, #tpu.memory_space<semaphore_mem>>
        %dma_start3A_241 = tpu.memref_squeeze %dma_start3A_240 : memref<1x!tpu.dma_semaphore, #tpu.memory_space<semaphore_mem>> -> memref<!tpu.dma_semaphore, #tpu.memory_space<semaphore_mem>>
        tpu.enqueue_indirect_dma source(%dma_start3A_239 : memref<1000000x128xf32, #tpu.memory_space<hbm>>) target(%dma_start3A_233 : memref<128x128xf32, #tpu.memory_space<vmem>>) offsets(%dma_start3A_236 : memref<128xi32, #tpu.memory_space<vmem>>) semaphore(%dma_start3A_241 : memref<!tpu.dma_semaphore, #tpu.memory_space<semaphore_mem>>)
      } else {
      }
      %ge3A_183 = arith.constant 2 : i32
      %ge3A_184 = arith.cmpi sge, %add3A_147, %ge3A_183 : i32
      %convert_element_type3A_185 = arith.extui %ge3A_184 : i1 to i32
      %cond3A_186 = arith.constant 0 : i32
      %cond3A_187 = arith.cmpi ne, %convert_element_type3A_185, %cond3A_186 : i32
      scf.if %cond3A_187 {
        %dma_wait3A_210 = arith.constant 1 : i32
        %dma_wait3A_211 = arith.constant 0 : i32
        %dma_wait3A_212 = arith.constant 1 : i32
        %dma_wait3A_213 = arith.constant 0 : i32
        %dma_wait3A_214 = arith.constant 0 : i32
        %dma_wait3A_215 = tpu.memref_slice %arg7[%dma_wait3A_210, %dma_wait3A_213, %dma_wait3A_214] : memref<2x64x128xf32, #tpu.memory_space<vmem>> -> memref<1x64x128xf32, #tpu.memory_space<vmem>>
        %dma_wait3A_216 = tpu.memref_squeeze %dma_wait3A_215 : memref<1x64x128xf32, #tpu.memory_space<vmem>> -> memref<64x128xf32, #tpu.memory_space<vmem>>
        %dma_wait3A_217 = arith.constant 0 : i32
        %dma_wait3A_218 = tpu.memref_slice %arg4[%dma_wait3A_211, %dma_wait3A_217, %mul3A_2] : memref<200x64x4096xf32, #tpu.memory_space<hbm>> -> memref<1x64x128xf32, #tpu.memory_space<hbm>>
        %dma_wait3A_219 = tpu.memref_squeeze %dma_wait3A_218 : memref<1x64x128xf32, #tpu.memory_space<hbm>> -> memref<64x128xf32, #tpu.memory_space<hbm>>
        %dma_wait3A_220 = tpu.memref_slice %arg9[%dma_wait3A_212] : memref<2x!tpu.dma_semaphore, #tpu.memory_space<semaphore_mem>> -> memref<1x!tpu.dma_semaphore, #tpu.memory_space<semaphore_mem>>
        %dma_wait3A_221 = tpu.memref_squeeze %dma_wait3A_220 : memref<1x!tpu.dma_semaphore, #tpu.memory_space<semaphore_mem>> -> memref<!tpu.dma_semaphore, #tpu.memory_space<semaphore_mem>>
        %dma_wait3A_222 = arith.constant 0 : i32
        %dma_wait3A_223 = tpu.memref_slice %arg4[%dma_wait3A_211, %dma_wait3A_222, %mul3A_2] : memref<200x64x4096xf32, #tpu.memory_space<hbm>> -> memref<1x64x128xf32, #tpu.memory_space<hbm>>
        %dma_wait3A_224 = tpu.memref_squeeze %dma_wait3A_223 : memref<1x64x128xf32, #tpu.memory_space<hbm>> -> memref<64x128xf32, #tpu.memory_space<hbm>>
        %dma_wait3A_225 = arith.constant 0 : i32
        %dma_wait3A_226 = arith.constant 0 : i32
        %dma_wait3A_227 = tpu.memref_slice %arg7[%dma_wait3A_210, %dma_wait3A_225, %dma_wait3A_226] : memref<2x64x128xf32, #tpu.memory_space<vmem>> -> memref<1x64x128xf32, #tpu.memory_space<vmem>>
        %dma_wait3A_228 = tpu.memref_squeeze %dma_wait3A_227 : memref<1x64x128xf32, #tpu.memory_space<vmem>> -> memref<64x128xf32, #tpu.memory_space<vmem>>
        tpu.wait_dma2 semaphore(%dma_wait3A_221 : memref<!tpu.dma_semaphore, #tpu.memory_space<semaphore_mem>>) src(%dma_wait3A_228 : memref<64x128xf32, #tpu.memory_space<vmem>>) dst(%dma_wait3A_224 : memref<64x128xf32, #tpu.memory_space<hbm>>)
      } else {
      }
      %parallel_loop3A_188 = arith.constant 0 : i32
      %parallel_loop3A_189 = arith.constant 64 : i32
      %parallel_loop3A_190 = arith.constant 1 : i32
      %parallel_loop3A_191 = arith.constant 1 : i32
      scf.for %parallel_loop3A_210 = %parallel_loop3A_188 to %parallel_loop3A_189 step %parallel_loop3A_190  : i32 {
        %parallel_loop3A_211 = vector.broadcast %parallel_loop3A_210 : i32 to vector<16xi32>
        %parallel_loop3A_212 = arith.addi %iota3A, %parallel_loop3A_211 : vector<16xi32>
        %parallel_loop3A_213 = arith.constant 15 : i32
        %parallel_loop3A_214 = vector.broadcast %parallel_loop3A_213 : i32 to vector<16xi32>
        %parallel_loop3A_215 = arith.andi %parallel_loop3A_212, %parallel_loop3A_214 : vector<16xi32>
        %parallel_loop3A_216 = arith.constant -16 : i32
        %parallel_loop3A_217 = arith.andi %parallel_loop3A_210, %parallel_loop3A_216 : i32
        %parallel_loop3A_218 = vector.broadcast %parallel_loop3A_217 : i32 to vector<16xi32>
        %parallel_loop3A_219 = arith.addi %parallel_loop3A_215, %parallel_loop3A_218 : vector<16xi32>
        %parallel_loop3A_220 = arith.constant 0 : i32
        %parallel_loop3A_221 = vector.broadcast %parallel_loop3A_220 : i32 to vector<16xi32>
        %parallel_loop3A_222 = arith.addi %iota3A, %parallel_loop3A_221 : vector<16xi32>
        %parallel_loop3A_223 = arith.constant 0 : i32
        %parallel_loop3A_224 = arith.constant 0 : i32
        %parallel_loop3A_225 = tpu.memref_slice %arg6[%select_n3A_163, %parallel_loop3A_223, %parallel_loop3A_224] : memref<4x128x128xf32, #tpu.memory_space<vmem>> -> memref<1x128x128xf32, #tpu.memory_space<vmem>>
        %parallel_loop3A_226 = tpu.memref_squeeze %parallel_loop3A_225 : memref<1x128x128xf32, #tpu.memory_space<vmem>> -> memref<128x128xf32, #tpu.memory_space<vmem>>
        %parallel_loop3A_227 = tpu.vector_load_idx %parallel_loop3A_226[%parallel_loop3A_222, %parallel_loop3A_219] : memref<128x128xf32, #tpu.memory_space<vmem>>[vector<16xi32>, vector<16xi32>], vector<16xf32>,
        %parallel_loop3A_228 = arith.constant 0 : i32
        %parallel_loop3A_229 = arith.constant 0 : i32
        %parallel_loop3A_230 = tpu.memref_slice %arg7[%parallel_loop3A_191, %parallel_loop3A_228, %parallel_loop3A_229] : memref<2x64x128xf32, #tpu.memory_space<vmem>> -> memref<1x64x128xf32, #tpu.memory_space<vmem>>
        %parallel_loop3A_231 = tpu.memref_squeeze %parallel_loop3A_230 : memref<1x64x128xf32, #tpu.memory_space<vmem>> -> memref<64x128xf32, #tpu.memory_space<vmem>>
        tpu.vector_store_idx %parallel_loop3A_231[%parallel_loop3A_219, %parallel_loop3A_222], %parallel_loop3A_227 : memref<64x128xf32, #tpu.memory_space<vmem>>[vector<16xi32>, vector<16xi32>], vector<16xf32>,
        %parallel_loop3A_232 = arith.constant 16 : i32
        %parallel_loop3A_233 = vector.broadcast %parallel_loop3A_232 : i32 to vector<16xi32>
        %parallel_loop3A_234 = arith.addi %iota3A, %parallel_loop3A_233 : vector<16xi32>
        %parallel_loop3A_235 = arith.constant 0 : i32
        %parallel_loop3A_236 = arith.constant 0 : i32
        %parallel_loop3A_237 = tpu.memref_slice %arg6[%select_n3A_163, %parallel_loop3A_235, %parallel_loop3A_236] : memref<4x128x128xf32, #tpu.memory_space<vmem>> -> memref<1x128x128xf32, #tpu.memory_space<vmem>>
        %parallel_loop3A_238 = tpu.memref_squeeze %parallel_loop3A_237 : memref<1x128x128xf32, #tpu.memory_space<vmem>> -> memref<128x128xf32, #tpu.memory_space<vmem>>
        %parallel_loop3A_239 = tpu.vector_load_idx %parallel_loop3A_238[%parallel_loop3A_234, %parallel_loop3A_219] : memref<128x128xf32, #tpu.memory_space<vmem>>[vector<16xi32>, vector<16xi32>], vector<16xf32>,
        %parallel_loop3A_240 = arith.constant 0 : i32
        %parallel_loop3A_241 = arith.constant 0 : i32
        %parallel_loop3A_242 = tpu.memref_slice %arg7[%parallel_loop3A_191, %parallel_loop3A_240, %parallel_loop3A_241] : memref<2x64x128xf32, #tpu.memory_space<vmem>> -> memref<1x64x128xf32, #tpu.memory_space<vmem>>
        %parallel_loop3A_243 = tpu.memref_squeeze %parallel_loop3A_242 : memref<1x64x128xf32, #tpu.memory_space<vmem>> -> memref<64x128xf32, #tpu.memory_space<vmem>>
        tpu.vector_store_idx %parallel_loop3A_243[%parallel_loop3A_219, %parallel_loop3A_234], %parallel_loop3A_239 : memref<64x128xf32, #tpu.memory_space<vmem>>[vector<16xi32>, vector<16xi32>], vector<16xf32>,
        %parallel_loop3A_244 = arith.constant 32 : i32
        %parallel_loop3A_245 = vector.broadcast %parallel_loop3A_244 : i32 to vector<16xi32>
        %parallel_loop3A_246 = arith.addi %iota3A, %parallel_loop3A_245 : vector<16xi32>
        %parallel_loop3A_247 = arith.constant 0 : i32
        %parallel_loop3A_248 = arith.constant 0 : i32
        %parallel_loop3A_249 = tpu.memref_slice %arg6[%select_n3A_163, %parallel_loop3A_247, %parallel_loop3A_248] : memref<4x128x128xf32, #tpu.memory_space<vmem>> -> memref<1x128x128xf32, #tpu.memory_space<vmem>>
        %parallel_loop3A_250 = tpu.memref_squeeze %parallel_loop3A_249 : memref<1x128x128xf32, #tpu.memory_space<vmem>> -> memref<128x128xf32, #tpu.memory_space<vmem>>
        %parallel_loop3A_251 = tpu.vector_load_idx %parallel_loop3A_250[%parallel_loop3A_246, %parallel_loop3A_219] : memref<128x128xf32, #tpu.memory_space<vmem>>[vector<16xi32>, vector<16xi32>], vector<16xf32>,
        %parallel_loop3A_252 = arith.constant 0 : i32
        %parallel_loop3A_253 = arith.constant 0 : i32
        %parallel_loop3A_254 = tpu.memref_slice %arg7[%parallel_loop3A_191, %parallel_loop3A_252, %parallel_loop3A_253] : memref<2x64x128xf32, #tpu.memory_space<vmem>> -> memref<1x64x128xf32, #tpu.memory_space<vmem>>
        %parallel_loop3A_255 = tpu.memref_squeeze %parallel_loop3A_254 : memref<1x64x128xf32, #tpu.memory_space<vmem>> -> memref<64x128xf32, #tpu.memory_space<vmem>>
        tpu.vector_store_idx %parallel_loop3A_255[%parallel_loop3A_219, %parallel_loop3A_246], %parallel_loop3A_251 : memref<64x128xf32, #tpu.memory_space<vmem>>[vector<16xi32>, vector<16xi32>], vector<16xf32>,
        %parallel_loop3A_256 = arith.constant 48 : i32
        %parallel_loop3A_257 = vector.broadcast %parallel_loop3A_256 : i32 to vector<16xi32>
        %parallel_loop3A_258 = arith.addi %iota3A, %parallel_loop3A_257 : vector<16xi32>
        %parallel_loop3A_259 = arith.constant 0 : i32
        %parallel_loop3A_260 = arith.constant 0 : i32
        %parallel_loop3A_261 = tpu.memref_slice %arg6[%select_n3A_163, %parallel_loop3A_259, %parallel_loop3A_260] : memref<4x128x128xf32, #tpu.memory_space<vmem>> -> memref<1x128x128xf32, #tpu.memory_space<vmem>>
        %parallel_loop3A_262 = tpu.memref_squeeze %parallel_loop3A_261 : memref<1x128x128xf32, #tpu.memory_space<vmem>> -> memref<128x128xf32, #tpu.memory_space<vmem>>
        %parallel_loop3A_263 = tpu.vector_load_idx %parallel_loop3A_262[%parallel_loop3A_258, %parallel_loop3A_219] : memref<128x128xf32, #tpu.memory_space<vmem>>[vector<16xi32>, vector<16xi32>], vector<16xf32>,
        %parallel_loop3A_264 = arith.constant 0 : i32
        %parallel_loop3A_265 = arith.constant 0 : i32
        %parallel_loop3A_266 = tpu.memref_slice %arg7[%parallel_loop3A_191, %parallel_loop3A_264, %parallel_loop3A_265] : memref<2x64x128xf32, #tpu.memory_space<vmem>> -> memref<1x64x128xf32, #tpu.memory_space<vmem>>
        %parallel_loop3A_267 = tpu.memref_squeeze %parallel_loop3A_266 : memref<1x64x128xf32, #tpu.memory_space<vmem>> -> memref<64x128xf32, #tpu.memory_space<vmem>>
        tpu.vector_store_idx %parallel_loop3A_267[%parallel_loop3A_219, %parallel_loop3A_258], %parallel_loop3A_263 : memref<64x128xf32, #tpu.memory_space<vmem>>[vector<16xi32>, vector<16xi32>], vector<16xf32>,
        %parallel_loop3A_268 = arith.constant 64 : i32
        %parallel_loop3A_269 = vector.broadcast %parallel_loop3A_268 : i32 to vector<16xi32>
        %parallel_loop3A_270 = arith.addi %iota3A, %parallel_loop3A_269 : vector<16xi32>
        %parallel_loop3A_271 = arith.constant 0 : i32
        %parallel_loop3A_272 = arith.constant 0 : i32
        %parallel_loop3A_273 = tpu.memref_slice %arg6[%select_n3A_163, %parallel_loop3A_271, %parallel_loop3A_272] : memref<4x128x128xf32, #tpu.memory_space<vmem>> -> memref<1x128x128xf32, #tpu.memory_space<vmem>>
        %parallel_loop3A_274 = tpu.memref_squeeze %parallel_loop3A_273 : memref<1x128x128xf32, #tpu.memory_space<vmem>> -> memref<128x128xf32, #tpu.memory_space<vmem>>
        %parallel_loop3A_275 = tpu.vector_load_idx %parallel_loop3A_274[%parallel_loop3A_270, %parallel_loop3A_219] : memref<128x128xf32, #tpu.memory_space<vmem>>[vector<16xi32>, vector<16xi32>], vector<16xf32>,
        %parallel_loop3A_276 = arith.constant 0 : i32
        %parallel_loop3A_277 = arith.constant 0 : i32
        %parallel_loop3A_278 = tpu.memref_slice %arg7[%parallel_loop3A_191, %parallel_loop3A_276, %parallel_loop3A_277] : memref<2x64x128xf32, #tpu.memory_space<vmem>> -> memref<1x64x128xf32, #tpu.memory_space<vmem>>
        %parallel_loop3A_279 = tpu.memref_squeeze %parallel_loop3A_278 : memref<1x64x128xf32, #tpu.memory_space<vmem>> -> memref<64x128xf32, #tpu.memory_space<vmem>>
        tpu.vector_store_idx %parallel_loop3A_279[%parallel_loop3A_219, %parallel_loop3A_270], %parallel_loop3A_275 : memref<64x128xf32, #tpu.memory_space<vmem>>[vector<16xi32>, vector<16xi32>], vector<16xf32>,
        %parallel_loop3A_280 = arith.constant 80 : i32
        %parallel_loop3A_281 = vector.broadcast %parallel_loop3A_280 : i32 to vector<16xi32>
        %parallel_loop3A_282 = arith.addi %iota3A, %parallel_loop3A_281 : vector<16xi32>
        %parallel_loop3A_283 = arith.constant 0 : i32
        %parallel_loop3A_284 = arith.constant 0 : i32
        %parallel_loop3A_285 = tpu.memref_slice %arg6[%select_n3A_163, %parallel_loop3A_283, %parallel_loop3A_284] : memref<4x128x128xf32, #tpu.memory_space<vmem>> -> memref<1x128x128xf32, #tpu.memory_space<vmem>>
        %parallel_loop3A_286 = tpu.memref_squeeze %parallel_loop3A_285 : memref<1x128x128xf32, #tpu.memory_space<vmem>> -> memref<128x128xf32, #tpu.memory_space<vmem>>
        %parallel_loop3A_287 = tpu.vector_load_idx %parallel_loop3A_286[%parallel_loop3A_282, %parallel_loop3A_219] : memref<128x128xf32, #tpu.memory_space<vmem>>[vector<16xi32>, vector<16xi32>], vector<16xf32>,
        %parallel_loop3A_288 = arith.constant 0 : i32
        %parallel_loop3A_289 = arith.constant 0 : i32
        %parallel_loop3A_290 = tpu.memref_slice %arg7[%parallel_loop3A_191, %parallel_loop3A_288, %parallel_loop3A_289] : memref<2x64x128xf32, #tpu.memory_space<vmem>> -> memref<1x64x128xf32, #tpu.memory_space<vmem>>
        %parallel_loop3A_291 = tpu.memref_squeeze %parallel_loop3A_290 : memref<1x64x128xf32, #tpu.memory_space<vmem>> -> memref<64x128xf32, #tpu.memory_space<vmem>>
        tpu.vector_store_idx %parallel_loop3A_291[%parallel_loop3A_219, %parallel_loop3A_282], %parallel_loop3A_287 : memref<64x128xf32, #tpu.memory_space<vmem>>[vector<16xi32>, vector<16xi32>], vector<16xf32>,
        %parallel_loop3A_292 = arith.constant 96 : i32
        %parallel_loop3A_293 = vector.broadcast %parallel_loop3A_292 : i32 to vector<16xi32>
        %parallel_loop3A_294 = arith.addi %iota3A, %parallel_loop3A_293 : vector<16xi32>
        %parallel_loop3A_295 = arith.constant 0 : i32
        %parallel_loop3A_296 = arith.constant 0 : i32
        %parallel_loop3A_297 = tpu.memref_slice %arg6[%select_n3A_163, %parallel_loop3A_295, %parallel_loop3A_296] : memref<4x128x128xf32, #tpu.memory_space<vmem>> -> memref<1x128x128xf32, #tpu.memory_space<vmem>>
        %parallel_loop3A_298 = tpu.memref_squeeze %parallel_loop3A_297 : memref<1x128x128xf32, #tpu.memory_space<vmem>> -> memref<128x128xf32, #tpu.memory_space<vmem>>
        %parallel_loop3A_299 = tpu.vector_load_idx %parallel_loop3A_298[%parallel_loop3A_294, %parallel_loop3A_219] : memref<128x128xf32, #tpu.memory_space<vmem>>[vector<16xi32>, vector<16xi32>], vector<16xf32>,
        %parallel_loop3A_300 = arith.constant 0 : i32
        %parallel_loop3A_301 = arith.constant 0 : i32
        %parallel_loop3A_302 = tpu.memref_slice %arg7[%parallel_loop3A_191, %parallel_loop3A_300, %parallel_loop3A_301] : memref<2x64x128xf32, #tpu.memory_space<vmem>> -> memref<1x64x128xf32, #tpu.memory_space<vmem>>
        %parallel_loop3A_303 = tpu.memref_squeeze %parallel_loop3A_302 : memref<1x64x128xf32, #tpu.memory_space<vmem>> -> memref<64x128xf32, #tpu.memory_space<vmem>>
        tpu.vector_store_idx %parallel_loop3A_303[%parallel_loop3A_219, %parallel_loop3A_294], %parallel_loop3A_299 : memref<64x128xf32, #tpu.memory_space<vmem>>[vector<16xi32>, vector<16xi32>], vector<16xf32>,
        %parallel_loop3A_304 = arith.constant 112 : i32
        %parallel_loop3A_305 = vector.broadcast %parallel_loop3A_304 : i32 to vector<16xi32>
        %parallel_loop3A_306 = arith.addi %iota3A, %parallel_loop3A_305 : vector<16xi32>
        %parallel_loop3A_307 = arith.constant 0 : i32
        %parallel_loop3A_308 = arith.constant 0 : i32
        %parallel_loop3A_309 = tpu.memref_slice %arg6[%select_n3A_163, %parallel_loop3A_307, %parallel_loop3A_308] : memref<4x128x128xf32, #tpu.memory_space<vmem>> -> memref<1x128x128xf32, #tpu.memory_space<vmem>>
        %parallel_loop3A_310 = tpu.memref_squeeze %parallel_loop3A_309 : memref<1x128x128xf32, #tpu.memory_space<vmem>> -> memref<128x128xf32, #tpu.memory_space<vmem>>
        %parallel_loop3A_311 = tpu.vector_load_idx %parallel_loop3A_310[%parallel_loop3A_306, %parallel_loop3A_219] : memref<128x128xf32, #tpu.memory_space<vmem>>[vector<16xi32>, vector<16xi32>], vector<16xf32>,
        %parallel_loop3A_312 = arith.constant 0 : i32
        %parallel_loop3A_313 = arith.constant 0 : i32
        %parallel_loop3A_314 = tpu.memref_slice %arg7[%parallel_loop3A_191, %parallel_loop3A_312, %parallel_loop3A_313] : memref<2x64x128xf32, #tpu.memory_space<vmem>> -> memref<1x64x128xf32, #tpu.memory_space<vmem>>
        %parallel_loop3A_315 = tpu.memref_squeeze %parallel_loop3A_314 : memref<1x64x128xf32, #tpu.memory_space<vmem>> -> memref<64x128xf32, #tpu.memory_space<vmem>>
        tpu.vector_store_idx %parallel_loop3A_315[%parallel_loop3A_219, %parallel_loop3A_306], %parallel_loop3A_311 : memref<64x128xf32, #tpu.memory_space<vmem>>[vector<16xi32>, vector<16xi32>], vector<16xf32>,
      } {sc.loop_unroll_factor = 4 : i64, sc.parallel_access}
      %dma_start3A_192 = arith.constant 1 : i32
      %dma_start3A_193 = arith.constant 1 : i32
      %dma_start3A_194 = arith.constant 0 : i32
      %dma_start3A_195 = arith.constant 0 : i32
      %dma_start3A_196 = tpu.memref_slice %arg7[%dma_start3A_192, %dma_start3A_194, %dma_start3A_195] : memref<2x64x128xf32, #tpu.memory_space<vmem>> -> memref<1x64x128xf32, #tpu.memory_space<vmem>>
      %dma_start3A_197 = tpu.memref_squeeze %dma_start3A_196 : memref<1x64x128xf32, #tpu.memory_space<vmem>> -> memref<64x128xf32, #tpu.memory_space<vmem>>
      %dma_start3A_198 = arith.constant 0 : i32
      %dma_start3A_199 = tpu.memref_slice %arg4[%add3A_147, %dma_start3A_198, %mul3A_2] : memref<200x64x4096xf32, #tpu.memory_space<hbm>> -> memref<1x64x128xf32, #tpu.memory_space<hbm>>
      %dma_start3A_200 = tpu.memref_squeeze %dma_start3A_199 : memref<1x64x128xf32, #tpu.memory_space<hbm>> -> memref<64x128xf32, #tpu.memory_space<hbm>>
      %dma_start3A_201 = tpu.memref_slice %arg9[%dma_start3A_193] : memref<2x!tpu.dma_semaphore, #tpu.memory_space<semaphore_mem>> -> memref<1x!tpu.dma_semaphore, #tpu.memory_space<semaphore_mem>>
      %dma_start3A_202 = tpu.memref_squeeze %dma_start3A_201 : memref<1x!tpu.dma_semaphore, #tpu.memory_space<semaphore_mem>> -> memref<!tpu.dma_semaphore, #tpu.memory_space<semaphore_mem>>
      %dma_start3A_203 = arith.constant 0 : i32
      %dma_start3A_204 = tpu.memref_slice %arg4[%add3A_147, %dma_start3A_203, %mul3A_2] : memref<200x64x4096xf32, #tpu.memory_space<hbm>> -> memref<1x64x128xf32, #tpu.memory_space<hbm>>
      %dma_start3A_205 = tpu.memref_squeeze %dma_start3A_204 : memref<1x64x128xf32, #tpu.memory_space<hbm>> -> memref<64x128xf32, #tpu.memory_space<hbm>>
      %dma_start3A_206 = arith.constant 0 : i32
      %dma_start3A_207 = arith.constant 0 : i32
      %dma_start3A_208 = tpu.memref_slice %arg7[%dma_start3A_192, %dma_start3A_206, %dma_start3A_207] : memref<2x64x128xf32, #tpu.memory_space<vmem>> -> memref<1x64x128xf32, #tpu.memory_space<vmem>>
      %dma_start3A_209 = tpu.memref_squeeze %dma_start3A_208 : memref<1x64x128xf32, #tpu.memory_space<vmem>> -> memref<64x128xf32, #tpu.memory_space<vmem>>
      tpu.enqueue_dma source(%dma_start3A_209 : memref<64x128xf32, #tpu.memory_space<vmem>>) target(%dma_start3A_205 : memref<64x128xf32, #tpu.memory_space<hbm>>) target_semaphore(%dma_start3A_202 : memref<!tpu.dma_semaphore, #tpu.memory_space<semaphore_mem>>)
    }
    %scan3A_50 = arith.constant 100 : i32
    %dma_wait3A = arith.constant 0 : i32
    %dma_wait3A_51 = arith.constant 0 : i32
    %dma_wait3A_52 = arith.constant 0 : i32
    %dma_wait3A_53 = arith.constant 0 : i32
    %dma_wait3A_54 = arith.constant 0 : i32
    %dma_wait3A_55 = tpu.memref_slice %arg7[%dma_wait3A, %dma_wait3A_53, %dma_wait3A_54] : memref<2x64x128xf32, #tpu.memory_space<vmem>> -> memref<1x64x128xf32, #tpu.memory_space<vmem>>
    %dma_wait3A_56 = tpu.memref_squeeze %dma_wait3A_55 : memref<1x64x128xf32, #tpu.memory_space<vmem>> -> memref<64x128xf32, #tpu.memory_space<vmem>>
    %dma_wait3A_57 = arith.constant 0 : i32
    %dma_wait3A_58 = tpu.memref_slice %arg4[%dma_wait3A_51, %dma_wait3A_57, %mul3A_2] : memref<200x64x4096xf32, #tpu.memory_space<hbm>> -> memref<1x64x128xf32, #tpu.memory_space<hbm>>
    %dma_wait3A_59 = tpu.memref_squeeze %dma_wait3A_58 : memref<1x64x128xf32, #tpu.memory_space<hbm>> -> memref<64x128xf32, #tpu.memory_space<hbm>>
    %dma_wait3A_60 = tpu.memref_slice %arg9[%dma_wait3A_52] : memref<2x!tpu.dma_semaphore, #tpu.memory_space<semaphore_mem>> -> memref<1x!tpu.dma_semaphore, #tpu.memory_space<semaphore_mem>>
    %dma_wait3A_61 = tpu.memref_squeeze %dma_wait3A_60 : memref<1x!tpu.dma_semaphore, #tpu.memory_space<semaphore_mem>> -> memref<!tpu.dma_semaphore, #tpu.memory_space<semaphore_mem>>
    %dma_wait3A_62 = arith.constant 0 : i32
    %dma_wait3A_63 = tpu.memref_slice %arg4[%dma_wait3A_51, %dma_wait3A_62, %mul3A_2] : memref<200x64x4096xf32, #tpu.memory_space<hbm>> -> memref<1x64x128xf32, #tpu.memory_space<hbm>>
    %dma_wait3A_64 = tpu.memref_squeeze %dma_wait3A_63 : memref<1x64x128xf32, #tpu.memory_space<hbm>> -> memref<64x128xf32, #tpu.memory_space<hbm>>
    %dma_wait3A_65 = arith.constant 0 : i32
    %dma_wait3A_66 = arith.constant 0 : i32
    %dma_wait3A_67 = tpu.memref_slice %arg7[%dma_wait3A, %dma_wait3A_65, %dma_wait3A_66] : memref<2x64x128xf32, #tpu.memory_space<vmem>> -> memref<1x64x128xf32, #tpu.memory_space<vmem>>
    %dma_wait3A_68 = tpu.memref_squeeze %dma_wait3A_67 : memref<1x64x128xf32, #tpu.memory_space<vmem>> -> memref<64x128xf32, #tpu.memory_space<vmem>>
    tpu.wait_dma2 semaphore(%dma_wait3A_61 : memref<!tpu.dma_semaphore, #tpu.memory_space<semaphore_mem>>) src(%dma_wait3A_68 : memref<64x128xf32, #tpu.memory_space<vmem>>) dst(%dma_wait3A_64 : memref<64x128xf32, #tpu.memory_space<hbm>>)
    %dma_wait3A_69 = arith.constant 1 : i32
    %dma_wait3A_70 = arith.constant 0 : i32
    %dma_wait3A_71 = arith.constant 1 : i32
    %dma_wait3A_72 = arith.constant 0 : i32
    %dma_wait3A_73 = arith.constant 0 : i32
    %dma_wait3A_74 = tpu.memref_slice %arg7[%dma_wait3A_69, %dma_wait3A_72, %dma_wait3A_73] : memref<2x64x128xf32, #tpu.memory_space<vmem>> -> memref<1x64x128xf32, #tpu.memory_space<vmem>>
    %dma_wait3A_75 = tpu.memref_squeeze %dma_wait3A_74 : memref<1x64x128xf32, #tpu.memory_space<vmem>> -> memref<64x128xf32, #tpu.memory_space<vmem>>
    %dma_wait3A_76 = arith.constant 0 : i32
    %dma_wait3A_77 = tpu.memref_slice %arg4[%dma_wait3A_70, %dma_wait3A_76, %mul3A_2] : memref<200x64x4096xf32, #tpu.memory_space<hbm>> -> memref<1x64x128xf32, #tpu.memory_space<hbm>>
    %dma_wait3A_78 = tpu.memref_squeeze %dma_wait3A_77 : memref<1x64x128xf32, #tpu.memory_space<hbm>> -> memref<64x128xf32, #tpu.memory_space<hbm>>
    %dma_wait3A_79 = tpu.memref_slice %arg9[%dma_wait3A_71] : memref<2x!tpu.dma_semaphore, #tpu.memory_space<semaphore_mem>> -> memref<1x!tpu.dma_semaphore, #tpu.memory_space<semaphore_mem>>
    %dma_wait3A_80 = tpu.memref_squeeze %dma_wait3A_79 : memref<1x!tpu.dma_semaphore, #tpu.memory_space<semaphore_mem>> -> memref<!tpu.dma_semaphore, #tpu.memory_space<semaphore_mem>>
    %dma_wait3A_81 = arith.constant 0 : i32
    %dma_wait3A_82 = tpu.memref_slice %arg4[%dma_wait3A_70, %dma_wait3A_81, %mul3A_2] : memref<200x64x4096xf32, #tpu.memory_space<hbm>> -> memref<1x64x128xf32, #tpu.memory_space<hbm>>
    %dma_wait3A_83 = tpu.memref_squeeze %dma_wait3A_82 : memref<1x64x128xf32, #tpu.memory_space<hbm>> -> memref<64x128xf32, #tpu.memory_space<hbm>>
    %dma_wait3A_84 = arith.constant 0 : i32
    %dma_wait3A_85 = arith.constant 0 : i32
    %dma_wait3A_86 = tpu.memref_slice %arg7[%dma_wait3A_69, %dma_wait3A_84, %dma_wait3A_85] : memref<2x64x128xf32, #tpu.memory_space<vmem>> -> memref<1x64x128xf32, #tpu.memory_space<vmem>>
    %dma_wait3A_87 = tpu.memref_squeeze %dma_wait3A_86 : memref<1x64x128xf32, #tpu.memory_space<vmem>> -> memref<64x128xf32, #tpu.memory_space<vmem>>
    tpu.wait_dma2 semaphore(%dma_wait3A_80 : memref<!tpu.dma_semaphore, #tpu.memory_space<semaphore_mem>>) src(%dma_wait3A_87 : memref<64x128xf32, #tpu.memory_space<vmem>>) dst(%dma_wait3A_83 : memref<64x128xf32, #tpu.memory_space<hbm>>)
    return
  }
}

</mosaic_0001>

<sc_bundles>
// kernel: kernel.3.cloned.1.call-start
scs
__scs_entry_jumppad:
0x0: {  	(pc) =	sbr.rel $0x88, $3  }
0x1: {  	(tag) =	ssettag $0x0;
	lr =	simm.s32 $0x1  }
0x2: {  	[smem:$0x3F9F] =	sst lr;
	_ =	strace $0xD0000000  }
0x3: {  	_ = 	snop  }
0x4: {  	_ = 	snop  }
0x5: {  	_ = 	snop  }
0x6: {  	_ = 	snop  }
0x7: {  	_ = 	snop  }
__scs_overlays_trampoline_lowered:
0x8: {  	[smem:$0x3FAE] =	sst s0  }
0x9: {  	[smem:$0x3FAF] =	sst s1  }
0xa: {  	[smem:$0x3FB0] =	sst s2  }
0xb: {  	[smem:$0x3FB1] =	sst s3  }
0xc: {  	[smem:$0x3FB2] =	sst s4  }
0xd: {  	[smem:$0x3FB3] =	sst s5  }
0xe: {  	[smem:$0x3FB4] =	sst s6  }
0xf: {  	[smem:$0x3FB5] =	sst s7  }
0x10: {  	[smem:$0x3FB6] =	sst s8  }
0x11: {  	[smem:$0x3FB7] =	sst s9;
	s0 =	simm.s32 @!p0 $0x0  }
0x12: {  	s1 =	sld [smem:$0x3F9D];
	s0 =	simm.s32 @p0 $0x1  }
0x13: {  	[smem:$0x3FB8] =	sst s0;
	s0 =	simm.s32 @!p1 $0x0  }
0x14: {  	s2 =	sld [smem:$0x3F9C];
	s0 =	simm.s32 @p1 $0x1  }
0x15: {  	[smem:$0x3FB9] =	sst s0;
	s0 =	simm.s32 @!p2 $0x0  }
0x16: {  	s3 =	sld [smem:$0x3FDB];
	s0 =	simm.s32 @p2 $0x1  }
0x17: {  	s4 =	simm.s32 $0x1BF5;
	[smem:$0x3FBB] =	sst s0  }
0x18: {  	s0 =	sld [smem:$0x3F9E];
	_ =	swait.ge [sflag:s4], $0x0  }
0x19: {  	s7 =	sld [smem:$0x3F9F]  }
0x1a: {  	s8 =	sadd.s32 $0xFFFFE003, lr  }
0x1b: {  	s9 =	sadd.s32 $0xFFFFFEF7, lr;
	s5 =	simm.s32 $0xFFFFFFFF;
	p2 =	slt.u32 s8, $0xFFFFF086  }
0x1c: {  	p1 =	slt.u32 s9, $0xF7A;
	s5 =	simm.s32 @!p2 $0x0  }
0x1d: {  	s5 =	simm.s32 @p1 $0x1;
	p0 =	seq.s32 s7, s2  }
0x1e: {  	s7 =	smul.u32 @!p0 $0xF7A, s2;
	p2 =	seq.s32 @!p0 s5, $0x0  }
0x1f: {  	s9 =	smul.u32 $0xF7A, s1;
	s8 =	simm.s32 @!p0 $0x1BF5;
	p2 =	por !p2, p0  }
0x20: {  	[sflag:s8] =	ssyncset.s32 @!p0 $0xFFFFF086;
	s6 =	sadd.s32 @!p0 s3, s7;
	s7 =	simm.s32 @!p0 $0x108  }
0x21: {  	s3 =	sadd.s32 s3, s9;
	s6 =	sadd.s32 @!p0 $0x88, s6;
	s7 =	simm.s32 @p2 $0x1082  }
0x22: {  	[simem:s7], [sflag:s8] =	dma.local @!p0 [hbm:s6], $0xF7A  }
0x23: {  	s9 =	sor.u32 $0xD0000000, s2;
	s6 =	simm.s32 $0x108;
	_ =	swait.ge @!p0 [sflag:s8], $0x0  }
0x24: {  	s3 =	sadd.s32 $0x88, s3;
	s6 =	simm.s32 @!p1 $0x1082;
	[sflag:s4] =	ssyncset.s32 $0xFFFFF086  }
0x25: {  	[simem:s6], [sflag:s4] =	dma.local [hbm:s3], $0xF7A  }
0x26: {  	[smem:$0x3F9F] =	sst s1;
	(tag) =	ssettag s2;
	_ =	strace s9  }
0x27: {  	s1 =	sld [smem:$0x3FAF]  }
0x28: {  	s2 =	sld [smem:$0x3FB0]  }
0x29: {  	s4 =	sld [smem:$0x3FB2]  }
0x2a: {  	p0 =	seq.s32 s5, $0x0;
	s5 =	sld [smem:$0x3FB3]  }
0x2b: {  	s6 =	sld [smem:$0x3FB4]  }
0x2c: {  	s7 =	sld [smem:$0x3FB5]  }
0x2d: {  	s3 =	simm.s32 $0x108;
	s8 =	sld [smem:$0x3FB6]  }
0x2e: {  	s3 =	simm.s32 @!p0 $0x1082;
	s9 =	sld [smem:$0x3FB7]  }
0x2f: {  	lr =	sadd.s32 s0, s3;
	s0 =	sld [smem:$0x3FAE]  }
0x30: {  	s3 =	sld [smem:$0x3FB1]  }
0x31: {  	[smem:$0x3FBA] =	sst s10  }
0x32: {  	s10 =	sld [smem:$0x3FB8];
	_ =	sdelay $0x3  }
0x33: {  	p0 =	seq.s32 s10, $0x1;
	s10 =	sld [smem:$0x3FBA];
	_ =	sdelay $0x3  }
0x34: {  	[smem:$0x3FBA] =	sst s10  }
0x35: {  	s10 =	sld [smem:$0x3FB9];
	_ =	sdelay $0x3  }
0x36: {  	p1 =	seq.s32 s10, $0x1;
	s10 =	sld [smem:$0x3FBA];
	_ =	sdelay $0x3  }
0x37: {  	[smem:$0x3FBA] =	sst s10  }
0x38: {  	s10 =	sld [smem:$0x3FBB]  }
0x39: {  	_ = 	snop;
	(pc) =	sbr.ind lr, $3  }
0x3a: {  	_ = 	snop  }
0x3b: {  	_ = 	snop  }
0x3c: {  	p2 =	seq.s32 s10, $0x1;
	s10 =	sld [smem:$0x3FBA]  }
0x3d: {  	_ =	shalt  }
0x3e: {  	_ =	shalt  }
0x3f: {  	_ =	shalt  }
0x40: {  	_ =	shalt  }
0x41: {  	_ =	shalt  }
0x42: {  	_ =	shalt  }
0x43: {  	_ =	shalt  }
0x44: {  	_ =	shalt  }
0x45: {  	_ =	shalt  }
0x46: {  	_ =	shalt  }
0x47: {  	_ =	shalt  }
0x48: {  	_ =	shalt  }
0x49: {  	_ =	shalt  }
0x4a: {  	_ =	shalt  }
0x4b: {  	_ =	shalt  }
0x4c: {  	_ =	shalt  }
0x4d: {  	_ =	shalt  }
0x4e: {  	_ =	shalt  }
0x4f: {  	_ =	shalt  }
0x50: {  	_ =	shalt  }
0x51: {  	_ =	shalt  }
0x52: {  	_ =	shalt  }
0x53: {  	_ =	shalt  }
0x54: {  	_ =	shalt  }
0x55: {  	_ =	shalt  }
0x56: {  	_ =	shalt  }
0x57: {  	_ =	shalt  }
0x58: {  	_ =	shalt  }
0x59: {  	_ =	shalt  }
0x5a: {  	_ =	shalt  }
0x5b: {  	_ =	shalt  }
0x5c: {  	_ =	shalt  }
0x5d: {  	_ =	shalt  }
0x5e: {  	_ =	shalt  }
0x5f: {  	_ =	shalt  }
0x60: {  	_ =	shalt  }
0x61: {  	_ =	shalt  }
0x62: {  	_ =	shalt  }
0x63: {  	_ =	shalt  }
0x64: {  	_ =	shalt  }
0x65: {  	_ =	shalt  }
0x66: {  	_ =	shalt  }
0x67: {  	_ =	shalt  }
0x68: {  	_ =	shalt  }
0x69: {  	_ =	shalt  }
0x6a: {  	_ =	shalt  }
0x6b: {  	_ =	shalt  }
0x6c: {  	_ =	shalt  }
0x6d: {  	_ =	shalt  }
0x6e: {  	_ =	shalt  }
0x6f: {  	_ =	shalt  }
0x70: {  	_ =	shalt  }
0x71: {  	_ =	shalt  }
0x72: {  	_ =	shalt  }
0x73: {  	_ =	shalt  }
0x74: {  	_ =	shalt  }
0x75: {  	_ =	shalt  }
0x76: {  	_ =	shalt  }
0x77: {  	_ =	shalt  }
0x78: {  	_ =	shalt  }
0x79: {  	_ =	shalt  }
0x7a: {  	_ =	shalt  }
0x7b: {  	_ =	shalt  }
0x7c: {  	_ =	shalt  }
0x7d: {  	_ =	shalt  }
0x7e: {  	_ =	shalt  }
0x7f: {  	_ =	shalt  }
0x80: {  	_ =	shalt  }
0x81: {  	_ =	shalt  }
0x82: {  	_ =	shalt  }
0x83: {  	_ =	shalt  }
0x84: {  	_ =	shalt  }
0x85: {  	_ =	shalt  }
0x86: {  	_ =	shalt  }
0x87: {  	_ =	shalt  }
.Lfunc_end0:
.L_simem_size_0:
called_computation_lowered:
.L_overlay_start_0:
0x88: {  	s2 =	sld [smem:$0x3FD9]  }
0x89: {  	s3 =	sld [smem:$0x3FFE];
	_ =	sdelay $0x1  }
0x8a: {  	s1 =	srdreg.scid  }
0x8b: {  	s0 =	sand.u32 $0x1, s1  }
0x8c: {  	s17 =	sshll.u32 s0, $0xA;
	s2 =	sadd.s32 s3, s2  }
0x8d: {  	s2 =	sadd.s32 s2, s17  }
0x8e: {  	[smem:$0x3FC6] =	sst s2  }
0x8f: {  	_ = 	snop  }
0x90: {  	s2 =	sld [smem:$0x3FD0];
	(tm) =	ssettm $0x1  }
0x91: {  	s18 =	sld [smem:$0x3FFB];
	_ =	sdelay $0x3  }
0x92: {  	_ =	strace s18  }
0x93: {  	s3 =	sld [smem:$0x3FFC];
	_ =	sdelay $0x3  }
0x94: {  	_ =	strace s3  }
0x95: {  	s3 =	sld [smem:$0x3FFD];
	_ =	sdelay $0x3  }
0x96: {  	_ =	strace s3  }
0x97: {  	_ =	strace $0x8FFFFFFF  }
0x98: {  	s19 =	sld [smem:$0x3FDB];
	_ =	sdelay $0x1  }
0x99: {  	s4 =	simm.s32 $_scs_section_size  }
0x9a: {  	s5 =	simm.s32 $_size__tile_overlayer_lowered;
	s6 =	simm.s32 $_tile_overlayer_lowered  }
0x9b: {  	s22 =	simm.s32 $0x1BFF;
	s21 =	sshll.u32 s6, $0x1;
	s3 =	sadd.s32 s4, s19  }
0x9c: {  	s7 =	simm.s32 $0x0;
	s20 =	sshll.u32 s5, $0x1;
	s5 =	sadd.s32 s21, s3  }
0x9d: {  	[timem:s7], [sflag:s22] =	dma.local [hbm:s5], s20  }
0x9e: {  	_ =	swait.ge [sflag:s22], s20  }
0x9f: {  	s4 =	ssub.s32 $0x0, s20;
	[sflag:s22] =	ssyncset.done $0x0  }
0xa0: {  	[sflag:s22] =	ssyncadd.s32 s4;
	_ =	sdelay $0x1  }
0xa1: {  	s23 =	simm.s32 $0x1B8B  }
0xa2: {  	_ =	swait.ge [sflag:s23], $0x1  }
0xa3: {  	[sflag:s23] =	ssyncset.done $0x0  }
0xa4: {  	s25 =	simm.s32 $0x1B8E;
	s24 =	sld [smem:$0x3FFE];
	[sflag:s23] =	ssyncadd.s32 $0xFFFFFFFF  }
0xa5: {  	s26 =	simm.s32 $execute0_lowered;
	[smem:$0x3FD2] =	sst s25  }
0xa6: {  	s5 =	sshll.u32 s26, $0x1;
	_ =	strace $0x80000046;
	[dreg:$0x1] =	wrdreg $0xFFFFFFFF  }
0xa7: {  	s28 =	simm.s32 $_size_execute0_lowered;
	s3 =	sadd.s32 s3, s5;
	[dreg:$0x0] =	wrdreg $0x0  }
0xa8: {  	s5 =	sshll.u32 s28, $0x1;
	[dreg:$0x2] =	wrdreg s3  }
0xa9: {  	[dreg:$0x3] =	wrdreg s5  }
0xaa: {  	[dreg:$0x4] =	wrdreg $0xC0  }
0xab: {  	_ =	task [dreg:s7], $0x5FFFF  }
0xac: {  	[dreg:$0x1] =	wrdreg $0xFFFFFFFF  }
0xad: {  	[dreg:$0x0] =	wrdreg $0x60  }
0xae: {  	[dreg:$0x2] =	wrdreg s24  }
0xaf: {  	[dreg:$0x3] =	wrdreg s2  }
0xb0: {  	[dreg:$0x4] =	wrdreg $0x9  }
0xb1: {  	_ =	task.clear_ibuf [dreg:s7], $0x5FFFF;
	_ =	strace $0x90000046  }
0xb2: {  	s29 =	simm.s32 $0x9;
	_ =	strace $0x80000048  }
0xb3: {  	_ =	swait.ge [sflag:s29], $0x1  }
0xb4: {  	[sflag:s29] =	ssyncadd.s32 $0xFFFFFFFF  }
0xb5: {  	_ =	strace $0x90000048  }
0xb6: {  	_ =	sfence  }
0xb7: {  	s30 =	sld [smem:$0x0];
	_ =	sdelay $0x2  }
0xb8: {  	s31 =	sshll.u32 s1, $0xD;
	s1 =	sshrl.u32 s1, $0x2  }
0xb9: {  	s3 =	sand.u32 $0x4000, s31;
	s1 =	sadd.s32 s1, s30  }
0xba: {  	s0 =	sor.u32 s3, s0;
	s1 =	sshll.u32 s1, $0x11  }
0xbb: {  	s0 =	sor.u32 s1, s0  }
0xbc: {  	s0 =	sadd.s32 $0x8F2B, s0  }
0xbd: {  	[sflag:s0] =	ssyncadd.remote.s32 $0x1  }
0xbe: {  	_ =	sfence.sel $0xFFFF  }
0xbf: {  	[dreg:$0x0] =	wrdreg $0xFFFFFFFF;
	(pc) =	sbr.abs _section_cstart, $3  }
0xc0: {  	[dreg:$0x1] =	wrdreg $0xFFFFFFFF  }
0xc1: {  	_ =	task.clear_ibuf [dreg:s7], $0x2FFFF;
	_ =	strace $0x9FFFFFFF  }
0xc2: {  	(tm) =	ssettm $0x7FFFFFFF  }
0xc3: {  	_ =	shalt  }
tec
execute0_lowered:
.L_overlay_start_1:
0x0: {  	(tag) =	ssettag $0x1  }
0x1: {  	s1 =	srdreg.scid  }
0x2: {  	s0 =	stileid.u32;
	s4 =	rddreg [dreg:$0x0]  }
0x3: {  	s2 =	rddreg [dreg:$0x1];
	s3 =	simm.s32 $0x0;
	s9 =	simm.s32 $0x80  }
0x4: {  	s10 =	simm.s32 $0x6400;
	s11 =	simm.s32 $0xA400;
	s12 =	simm.s32 $0x100  }
0x5: {  	s13 =	simm.s32 $0xE400;
	s14 =	simm.s32 $0x16400;
	s15 =	simm.s32 $0x400  }
0x6: {  	s16 =	simm.s32 $0x8000;
	s17 =	simm.s32 $0x18400;
	s18 =	simm.s32 $0x5  }
0x7: {  	v0 =	vlaneseq.u32;
	s19 =	simm.s32 $0x6;
	s5 =	sand.u32 $0x1, s1;
	s31 =	sshll.u32 s0, $0x1  }
0x8: {  	s20 =	simm.s32 $0x0;
	s1 =	rddreg [dreg:$0x2];
	v1 =	vmul.u32 $0x80, v0;
	v3 =	vor.u32 $0x10, v0;
	v5 =	vor.u32 $0x20, v0;
	s6 =	sor.u32 s5, s31  }
0x9: {  	[smem:$0x7FF] =	sst s3;
	v7 =	vor.u32 $0x30, v0;
	v9 =	vor.u32 $0x40, v0;
	v11 =	vor.u32 $0x50, v0;
	s5 =	ssub.s32 $0x2, s5;
	s7 =	smul.u32 $0xC80, s6  }
0xa: {  	v13 =	vor.u32 $0x60, v0;
	v15 =	vor.u32 $0x70, v0;
	_ =	strace $0x80000047;
	s8 =	sshrl.u32 s5, $0x1;
	s6 =	sshll.u32 s6, $0xA;
	v2 =	vor.u32 $0x800, v1  }
0xb: {  	v4 =	vor.u32 $0x1000, v1;
	v6 =	vor.u32 $0x1800, v1;
	v8 =	vor.u32 $0x2000, v1;
	s8 =	ssub.s32 s5, s8;
	s7 =	sadd.s32 s7, s4;
	s4 =	sadd.s32 $0xF5BA00, s4  }
0xc: {  	v10 =	vor.u32 $0x2800, v1;
	v12 =	vor.u32 $0x3000, v1;
	v14 =	vor.u32 $0x3800, v1;
	s5 =	sadd.s32 $0xF42A00, s7;
	s7 =	smax.u32 s8, $0x1;
	s8 =	simm.s32 $0x7  }
.LBB2_1:
0xd: {  	[tilespmem:s3], [sflag:$0x7] =	stream.linear.gather [hbm4b:s5+s3], $0x6400, $0x38;
	[tilespmem:$0x1A400] =	vst v63  }
0xe: {  	_ =	swait.ge [sflag:s8], $0x6400  }
0xf: {  	[sflag:s8] =	ssyncset.done $0x0  }
0x10: {  	[sflag:s8] =	ssyncadd.s32 $0xFFFF9C00  }
0x11: {  	[tilespmem:s10], [sflag:$0x1] =	stream.indirect.gather [hbm4b:s4+s9], $0x80, s3, s9, $0xb8;
	[tilespmem:$0x1A400] =	vst v63  }
0x12: {  	_ = 	snop  }
0x13: {  	[tilespmem:s11], [sflag:$0x2] =	stream.indirect.gather [hbm4b:s4+s9], $0x80, s9, s9, $0xb8;
	[tilespmem:$0x1A400] =	vst v63  }
0x14: {  	s21 =	simm.s32 $0x0  }
0x15: {  	[tilespmem:s13], [sflag:$0x3] =	stream.indirect.gather [hbm4b:s4+s9], $0x80, s12, s9, $0xb8;
	[tilespmem:$0x1A400] =	vst v63  }
.LBB2_2:
0x16: {  	s23 =	sshll.u32 s21, $0x1  }
0x17: {  	p0 =	seq.s32 s21, $0x63;
	s24 =	sand.u32 $0x2, s23  }
0x18: {  	s25 =	sadd.s32 @!p0 $0x3, s23;
	s29 =	simm.s32 @!p0 $0x80;
	s22 =	sor.u32 $0x1, s24  }
0x19: {  	s26 =	sand.u32 @!p0 $0x3, s25;
	s25 =	sshll.u32 @!p0 s25, $0x7;
	_ =	swait.ge [sflag:s22], $0x4000  }
0x1a: {  	s28 =	sshll.u32 @!p0 s26, $0xE;
	s25 =	sand.u32 @!p0 $0x3FFFFF80, s25;
	[sflag:s22] =	ssyncset.done $0x0  }
0x1b: {  	s26 =	sadd.s32 @!p0 $0x1, s26;
	s28 =	sadd.s32 @!p0 $0x6400, s28;
	[sflag:s22] =	ssyncadd.s32 $0xFFFFC000  }
0x1c: {  	[tilespmem:s28], [sflag:s26] =	stream.indirect.gather @!p0 [hbm4b:s4+s29], $0x80, s25, s29, $0xb8;
	[tilespmem:$0x1A400] =	vst v63  }
0x1d: {  	s26 =	simm.s32 $0x2  }
0x1e: {  	s30 =	simm.s32 $0x1;
	s31 =	simm.s32 $0x3;
	s29 =	simm.s32 $0x0;
	v16 =	vadd.s32 s26, v0  }
0x1f: {  	v18 =	vadd.s32 s30, v0;
	v19 =	vadd.s32 s31, v0;
	s26 =	sand.u32 $0x30, s29;
	v16 =	vand.u32 $0xF, v16  }
0x20: {  	v18 =	vand.u32 $0xF, v18;
	v17 =	vadd.s32 s29, v0;
	v34 =	vor.u32 s26, v16  }
0x21: {  	p1 =	seq.s32 @!p0 s21, $0x0;
	v38 =	vor.u32 s26, v18;
	v16 =	vand.u32 $0xF, v19;
	v18 =	vor.u32 v1, v34  }
0x22: {  	p0 =	por p0, !p1;
	v37 =	vor.u32 s26, v16;
	v16 =	vand.u32 $0xF, v17;
	v17 =	vor.u32 v1, v38  }
0x23: {  	_ =	swait.ge @p0 [sflag:s18], $0x2000;
	v35 =	vor.u32 s26, v16;
	v16 =	vor.u32 v1, v37  }
0x24: {  	s24 =	sshll.u32 s24, $0xE;
	[sflag:s18] =	ssyncset.done @p0 $0x0;
	v20 =	vor.u32 v1, v35  }
0x25: {  	s24 =	sadd.s32 $0x6400, s24;
	[sflag:s18] =	ssyncadd.s32 @p0 $0xFFFFE000;
	v19 =	vshll.u32 v34, $0x7  }
0x26: {  	v36 =	vshll.u32 v38, $0x7;
	v21 =	vor.u32 v0, v19;
	v18 =	vld.idx.msk [tilespmem:v18+s24+$0x0], $0xffff  }
0x27: {  	v23 =	vor.u32 v2, v34;
	v24 =	vor.u32 v0, v36;
	v39 =	vshll.u32 v37, $0x7;
	v22 =	vld.idx.msk [tilespmem:v17+s24+$0x0], $0xffff  }
0x28: {  	v25 =	vor.u32 v2, v38;
	v26 =	vor.u32 v0, v39;
	v17 =	vshll.u32 v35, $0x7;
	v16 =	vld.idx.msk [tilespmem:v16+s24+$0x0], $0xffff  }
0x29: {  	v28 =	vor.u32 v2, v37;
	v27 =	vor.u32 v0, v17;
	v20 =	vld.idx.msk [tilespmem:v20+s24+$0x0], $0xffff  }
0x2a: {  	v29 =	vor.u32 v2, v35  }
0x2b: {  	[tilespmem:v21+s14+$0x0] =	vst.idx.msk $0xffff, v18  }
0x2c: {  	[tilespmem:v24+s14+$0x0] =	vst.idx.msk $0xffff, v22;
	v21 =	vor.u32 v3, v19;
	v18 =	vld.idx.msk [tilespmem:v23+s24+$0x0], $0xffff  }
0x2d: {  	v24 =	vor.u32 v3, v36;
	v22 =	vld.idx.msk [tilespmem:v25+s24+$0x0], $0xffff;
	[tilespmem:v26+s14+$0x0] =	vst.idx.msk $0xffff, v16;
	v23 =	vor.u32 v4, v34  }
0x2e: {  	v26 =	vor.u32 v3, v39;
	[tilespmem:v27+s14+$0x0] =	vst.idx.msk $0xffff, v20;
	v25 =	vld.idx.msk [tilespmem:v28+s24+$0x0], $0xffff;
	v27 =	vor.u32 v4, v38  }
0x2f: {  	v28 =	vld.idx.msk [tilespmem:v29+s24+$0x0], $0xffff;
	v29 =	vor.u32 v3, v17  }
0x30: {  	s29 =	simm.s32 $0x4;
	v40 =	vor.u32 v8, v38;
	v30 =	vor.u32 v4, v35  }
0x31: {  	v43 =	vadd.s32 s29, v0;
	v51 =	vor.u32 v10, v34;
	v62 =	vor.u32 v8, v37;
	[tilespmem:v21+s14+$0x0] =	vst.idx.msk $0xffff, v18  }
0x32: {  	v21 =	vor.u32 v4, v37;
	[tilespmem:v24+s14+$0x0] =	vst.idx.msk $0xffff, v22;
	v22 =	vor.u32 v5, v19;
	v23 =	vld.idx.msk [tilespmem:v23+s24+$0x0], $0xffff  }
0x33: {  	[tilespmem:v26+s14+$0x0] =	vst.idx.msk $0xffff, v25;
	v24 =	vld.idx.msk [tilespmem:v27+s24+$0x0], $0xffff;
	v25 =	vor.u32 v5, v36;
	v26 =	vor.u32 v6, v34  }
0x34: {  	v59 =	vand.u32 $0xF, v43;
	s26 =	simm.s32 $0x5;
	v50 =	vor.u32 v9, v19;
	v27 =	vor.u32 v6, v38;
	[tilespmem:v29+s14+$0x0] =	vst.idx.msk $0xffff, v28  }
0x35: {  	v32 =	vor.u32 v6, v35;
	v33 =	vadd.s32 s26, v0;
	v31 =	vor.u32 v5, v17;
	v30 =	vld.idx.msk [tilespmem:v30+s24+$0x0], $0xffff  }
0x36: {  	v41 =	vor.u32 v7, v39;
	v53 =	vor.u32 v10, v35;
	v33 =	vand.u32 $0xF, v33  }
0x37: {  	v42 =	vor.u32 v7, v17;
	v29 =	vor.u32 v5, v39;
	v21 =	vld.idx.msk [tilespmem:v21+s24+$0x0], $0xffff;
	[tilespmem:v22+s14+$0x0] =	vst.idx.msk $0xffff, v23  }
0x38: {  	v23 =	vor.u32 v6, v37;
	[tilespmem:v25+s14+$0x0] =	vst.idx.msk $0xffff, v24;
	v25 =	vld.idx.msk [tilespmem:v26+s24+$0x0], $0xffff;
	v26 =	vor.u32 v7, v19  }
0x39: {  	s26 =	sand.u32 $0x30, s29;
	v63 =	vor.u32 v9, v17;
	v22 =	vor.u32 v8, v34;
	v24 =	vor.u32 v7, v36;
	v44 =	vld.idx.msk [tilespmem:v27+s24+$0x0], $0xffff  }
0x3a: {  	s30 =	simm.s32 $0x6;
	v16 =	vor.u32 v14, v38;
	v20 =	vor.u32 v13, v39;
	[tilespmem:v31+s14+$0x0] =	vst.idx.msk $0xffff, v30;
	v30 =	vor.u32 s26, v33  }
0x3b: {  	v27 =	vadd.s32 s30, v0;
	v31 =	vld.idx.msk [tilespmem:v32+s24+$0x0], $0xffff;
	v60 =	vor.u32 v1, v30;
	v32 =	vor.u32 s26, v59  }
0x3c: {  	s31 =	simm.s32 $0x7;
	v18 =	vor.u32 v14, v37;
	v27 =	vand.u32 $0xF, v27;
	[tilespmem:v29+s14+$0x0] =	vst.idx.msk $0xffff, v21;
	v47 =	vor.u32 v1, v32  }
0x3d: {  	v45 =	vadd.s32 s31, v0;
	v28 =	vor.u32 v8, v35;
	v29 =	vor.u32 s26, v27;
	v61 =	vld.idx.msk [tilespmem:v23+s24+$0x0], $0xffff;
	[tilespmem:v26+s14+$0x0] =	vst.idx.msk $0xffff, v25  }
0x3e: {  	v21 =	vand.u32 $0xF, v45;
	v46 =	vor.u32 v1, v29;
	[tilespmem:v24+s14+$0x0] =	vst.idx.msk $0xffff, v44;
	v49 =	vld.idx.msk [tilespmem:v22+s24+$0x0], $0xffff  }
0x3f: {  	v59 =	vor.u32 v11, v19;
	v27 =	vshll.u32 v30, $0x7;
	v33 =	vor.u32 s26, v21;
	v40 =	vld.idx.msk [tilespmem:v40+s24+$0x0], $0xffff  }
0x40: {  	v52 =	vor.u32 v0, v27;
	v48 =	vor.u32 v1, v33;
	[tilespmem:v42+s14+$0x0] =	vst.idx.msk $0xffff, v31;
	v42 =	vld.idx.msk [tilespmem:v60+s24+$0x0], $0xffff  }
0x41: {  	v26 =	vshll.u32 v32, $0x7;
	v31 =	vor.u32 v9, v36;
	v60 =	vor.u32 v2, v30;
	v47 =	vld.idx.msk [tilespmem:v47+s24+$0x0], $0xffff  }
0x42: {  	v57 =	vor.u32 v0, v26;
	[tilespmem:v41+s14+$0x0] =	vst.idx.msk $0xffff, v61;
	v41 =	vld.idx.msk [tilespmem:v28+s24+$0x0], $0xffff;
	v28 =	vor.u32 v10, v38  }
0x43: {  	v54 =	vor.u32 v2, v29;
	v21 =	vshll.u32 v33, $0x7;
	v25 =	vshll.u32 v29, $0x7;
	v46 =	vld.idx.msk [tilespmem:v46+s24+$0x0], $0xffff  }
0x44: {  	v24 =	vor.u32 v14, v33;
	v45 =	vor.u32 v0, v25;
	v44 =	vld.idx.msk [tilespmem:v62+s24+$0x0], $0xffff;
	[tilespmem:v50+s14+$0x0] =	vst.idx.msk $0xffff, v49  }
0x45: {  	v58 =	vor.u32 v2, v33;
	v61 =	vor.u32 v9, v39;
	v48 =	vld.idx.msk [tilespmem:v48+s24+$0x0], $0xffff;
	[tilespmem:v52+s14+$0x0] =	vst.idx.msk $0xffff, v42  }
0x46: {  	v55 =	vor.u32 v0, v21;
	v62 =	vor.u32 v10, v37;
	[tilespmem:v31+s14+$0x0] =	vst.idx.msk $0xffff, v40;
	v43 =	vld.idx.msk [tilespmem:v60+s24+$0x0], $0xffff  }
0x47: {  	v22 =	vor.u32 v14, v30;
	v23 =	vor.u32 v13, v21;
	[tilespmem:v57+s14+$0x0] =	vst.idx.msk $0xffff, v47;
	v56 =	vld.idx.msk [tilespmem:v28+s24+$0x0], $0xffff  }
0x48: {  	v52 =	vor.u32 v11, v36;
	[tilespmem:v63+s14+$0x0] =	vst.idx.msk $0xffff, v41;
	v41 =	vld.idx.msk [tilespmem:v51+s24+$0x0], $0xffff;
	v63 =	vor.u32 v2, v32  }
0x49: {  	v50 =	vor.u32 v11, v39;
	[tilespmem:v45+s14+$0x0] =	vst.idx.msk $0xffff, v46;
	v42 =	vld.idx.msk [tilespmem:v53+s24+$0x0], $0xffff;
	v53 =	vor.u32 v12, v38  }
0x4a: {  	v45 =	vor.u32 v12, v34;
	[tilespmem:v61+s14+$0x0] =	vst.idx.msk $0xffff, v44;
	v44 =	vor.u32 v11, v17;
	v46 =	vld.idx.msk [tilespmem:v54+s24+$0x0], $0xffff  }
0x4b: {  	v47 =	vor.u32 v3, v25;
	[tilespmem:v55+s14+$0x0] =	vst.idx.msk $0xffff, v48;
	v48 =	vor.u32 v12, v35;
	v40 =	vld.idx.msk [tilespmem:v62+s24+$0x0], $0xffff  }
0x4c: {  	v31 =	vor.u32 v15, v39;
	v28 =	vor.u32 v15, v36;
	v60 =	vld.idx.msk [tilespmem:v58+s24+$0x0], $0xffff;
	v62 =	vor.u32 v4, v29  }
0x4d: {  	v61 =	vor.u32 v12, v37;
	v49 =	vld.idx.msk [tilespmem:v63+s24+$0x0], $0xffff;
	v63 =	vor.u32 v3, v21;
	[tilespmem:v52+s14+$0x0] =	vst.idx.msk $0xffff, v56  }
0x4e: {  	v51 =	vor.u32 v4, v30;
	v37 =	vor.u32 v3, v27;
	[tilespmem:v59+s14+$0x0] =	vst.idx.msk $0xffff, v41;
	v39 =	vld.idx.msk [tilespmem:v53+s24+$0x0], $0xffff  }
0x4f: {  	v38 =	vor.u32 v4, v33;
	v52 =	vor.u32 v3, v26;
	[tilespmem:v44+s14+$0x0] =	vst.idx.msk $0xffff, v42;
	v45 =	vld.idx.msk [tilespmem:v45+s24+$0x0], $0xffff  }
0x50: {  	v41 =	vor.u32 v14, v34;
	v53 =	vor.u32 v4, v32;
	[tilespmem:v47+s14+$0x0] =	vst.idx.msk $0xffff, v46;
	v44 =	vld.idx.msk [tilespmem:v48+s24+$0x0], $0xffff  }
0x51: {  	v47 =	vor.u32 v13, v17;
	v48 =	vor.u32 v13, v19;
	[tilespmem:v50+s14+$0x0] =	vst.idx.msk $0xffff, v40;
	v50 =	vld.idx.msk [tilespmem:v62+s24+$0x0], $0xffff  }
0x52: {  	s25 =	simm.s32 $0x8;
	v42 =	vor.u32 v14, v35;
	v46 =	vor.u32 v13, v36;
	v40 =	vld.idx.msk [tilespmem:v61+s24+$0x0], $0xffff;
	[tilespmem:v63+s14+$0x0] =	vst.idx.msk $0xffff, v60  }
.LBB2_3:
0x53: {  	[tilespmem:v37+s14+$0x0] =	vst.idx.msk $0xffff, v43;
	v54 =	vor.u32 v15, v17;
	v19 =	vor.u32 v15, v19  }
0x54: {  	p0 =	slt.u32 s25, $0x3C;
	v43 =	vld.idx.msk [tilespmem:v38+s24+$0x0], $0xffff;
	v38 =	vmovc v30;
	v36 =	vmovc v29;
	v37 =	vmov v33;
	v34 =	vmov v32;
	v35 =	vmov v27;
	s26 =	smov.u32 s25;
	s25 =	sadd.s32 $0x4, s25  }
0x55: {  	v27 =	vor.u32 v5, v25;
	[tilespmem:v52+s14+$0x0] =	vst.idx.msk $0xffff, v49;
	v49 =	vor.u32 v8, v34;
	v17 =	vld.idx.msk [tilespmem:v51+s24+$0x0], $0xffff  }
0x56: {  	v30 =	vor.u32 v5, v35;
	v32 =	vor.u32 v6, v36;
	v29 =	vld.idx.msk [tilespmem:v53+s24+$0x0], $0xffff;
	[tilespmem:v48+s14+$0x0] =	vst.idx.msk $0xffff, v45  }
0x57: {  	v33 =	vor.u32 v6, v38;
	v45 =	vor.u32 v5, v21;
	[tilespmem:v47+s14+$0x0] =	vst.idx.msk $0xffff, v44;
	v41 =	vld.idx.msk [tilespmem:v41+s24+$0x0], $0xffff  }
0x58: {  	v44 =	vor.u32 v5, v26;
	v47 =	vor.u32 v8, v38;
	v42 =	vld.idx.msk [tilespmem:v42+s24+$0x0], $0xffff;
	[tilespmem:v46+s14+$0x0] =	vst.idx.msk $0xffff, v39  }
0x59: {  	v39 =	vor.u32 v6, v34;
	v46 =	vor.u32 v7, v21;
	v48 =	vld.idx.msk [tilespmem:v16+s24+$0x0], $0xffff;
	[tilespmem:v20+s14+$0x0] =	vst.idx.msk $0xffff, v40  }
0x5a: {  	v40 =	vor.u32 v8, v36;
	[tilespmem:v27+s14+$0x0] =	vst.idx.msk $0xffff, v50;
	v27 =	vor.u32 v6, v37;
	v18 =	vld.idx.msk [tilespmem:v18+s24+$0x0], $0xffff  }
0x5b: {  	v51 =	vor.u32 v7, v35;
	v50 =	vor.u32 v7, v26;
	[tilespmem:v30+s14+$0x0] =	vst.idx.msk $0xffff, v17;
	v52 =	vld.idx.msk [tilespmem:v32+s24+$0x0], $0xffff  }
0x5c: {  	v55 =	vor.u32 v7, v25;
	s28 =	sadd.s32 $0x1, s26;
	s29 =	sadd.s32 $0x2, s26;
	s30 =	sadd.s32 $0x3, s26;
	v32 =	vadd.s32 s26, v0;
	v17 =	vmov v26;
	v53 =	vld.idx.msk [tilespmem:v33+s24+$0x0], $0xffff;
	[tilespmem:v45+s14+$0x0] =	vst.idx.msk $0xffff, v43  }
0x5d: {  	v16 =	vmovc v22;
	v26 =	vadd.s32 s29, v0;
	v30 =	vadd.s32 s30, v0;
	v33 =	vadd.s32 s28, v0;
	[tilespmem:v44+s14+$0x0] =	vst.idx.msk $0xffff, v29;
	v44 =	vmovc v21  }
0x5e: {  	v20 =	vmovc v23;
	s26 =	sand.u32 $0x30, s26;
	v22 =	vand.u32 $0xF, v26;
	v26 =	vand.u32 $0xF, v30;
	v21 =	vand.u32 $0xF, v33;
	v39 =	vld.idx.msk [tilespmem:v39+s24+$0x0], $0xffff;
	[tilespmem:v54+s14+$0x0] =	vst.idx.msk $0xffff, v42  }
0x5f: {  	v29 =	vor.u32 s26, v22;
	v33 =	vor.u32 s26, v26;
	v30 =	vor.u32 s26, v21;
	v42 =	vld.idx.msk [tilespmem:v27+s24+$0x0], $0xffff;
	[tilespmem:v19+s14+$0x0] =	vst.idx.msk $0xffff, v41;
	v19 =	vmovc v25  }
0x60: {  	v21 =	vand.u32 $0xF, v32;
	v25 =	vor.u32 v1, v30;
	v41 =	vor.u32 v1, v29;
	[tilespmem:v31+s14+$0x0] =	vst.idx.msk $0xffff, v18  }
0x61: {  	v32 =	vor.u32 s26, v21;
	v27 =	vshll.u32 v30, $0x7;
	v31 =	vor.u32 v1, v33;
	v18 =	vmovc v24;
	[tilespmem:v55+s14+$0x0] =	vst.idx.msk $0xffff, v52  }
0x62: {  	v21 =	vshll.u32 v33, $0x7;
	v43 =	vor.u32 v1, v32;
	v26 =	vshll.u32 v32, $0x7;
	v40 =	vld.idx.msk [tilespmem:v40+s24+$0x0], $0xffff;
	[tilespmem:v28+s14+$0x0] =	vst.idx.msk $0xffff, v48  }
0x63: {  	v45 =	vor.u32 v8, v37;
	v28 =	vor.u32 v9, v19;
	[tilespmem:v51+s14+$0x0] =	vst.idx.msk $0xffff, v53  }
0x64: {  	v22 =	vor.u32 v14, v30;
	v23 =	vor.u32 v13, v21;
	[tilespmem:v50+s14+$0x0] =	vst.idx.msk $0xffff, v39;
	v39 =	vld.idx.msk [tilespmem:v47+s24+$0x0], $0xffff  }
0x65: {  	v48 =	vor.u32 v9, v35;
	v47 =	vld.idx.msk [tilespmem:v25+s24+$0x0], $0xffff;
	v25 =	vshll.u32 v29, $0x7;
	[tilespmem:v46+s14+$0x0] =	vst.idx.msk $0xffff, v42  }
0x66: {  	v24 =	vor.u32 v14, v33;
	v42 =	vor.u32 v0, v25;
	v46 =	vld.idx.msk [tilespmem:v49+s24+$0x0], $0xffff;
	v49 =	vor.u32 v10, v38  }
0x67: {  	v52 =	vor.u32 v10, v36;
	v51 =	vor.u32 v2, v29;
	v50 =	vld.idx.msk [tilespmem:v43+s24+$0x0], $0xffff;
	v43 =	vor.u32 v9, v17  }
0x68: {  	v54 =	vor.u32 v10, v34;
	v53 =	vor.u32 v0, v27;
	[tilespmem:v28+s14+$0x0] =	vst.idx.msk $0xffff, v40;
	v40 =	vld.idx.msk [tilespmem:v45+s24+$0x0], $0xffff  }
0x69: {  	v55 =	vor.u32 v9, v44;
	v45 =	vor.u32 v2, v30;
	v41 =	vld.idx.msk [tilespmem:v41+s24+$0x0], $0xffff  }
0x6a: {  	v56 =	vld.idx.msk [tilespmem:v31+s24+$0x0], $0xffff;
	[tilespmem:v48+s14+$0x0] =	vst.idx.msk $0xffff, v39;
	v39 =	vor.u32 v10, v37  }
0x6b: {  	v28 =	vor.u32 v15, v35;
	v48 =	vor.u32 v0, v21;
	v31 =	vor.u32 v15, v44;
	v57 =	vld.idx.msk [tilespmem:v49+s24+$0x0], $0xffff  }
0x6c: {  	v58 =	vor.u32 v2, v33;
	v49 =	vor.u32 v0, v26;
	[tilespmem:v43+s14+$0x0] =	vst.idx.msk $0xffff, v46;
	v46 =	vld.idx.msk [tilespmem:v52+s24+$0x0], $0xffff  }
0x6d: {  	v52 =	vor.u32 v2, v32;
	[tilespmem:v53+s14+$0x0] =	vst.idx.msk $0xffff, v47;
	v47 =	vld.idx.msk [tilespmem:v54+s24+$0x0], $0xffff;
	v53 =	vor.u32 v11, v35  }
0x6e: {  	v54 =	vor.u32 v11, v19;
	v43 =	vld.idx.msk [tilespmem:v45+s24+$0x0], $0xffff;
	v45 =	vor.u32 v12, v38;
	[tilespmem:v55+s14+$0x0] =	vst.idx.msk $0xffff, v40  }
0x6f: {  	v40 =	vor.u32 v11, v17;
	[tilespmem:v42+s14+$0x0] =	vst.idx.msk $0xffff, v41;
	v41 =	vor.u32 v12, v36;
	v42 =	vld.idx.msk [tilespmem:v39+s24+$0x0], $0xffff  }
0x70: {  	v55 =	vld.idx.msk [tilespmem:v51+s24+$0x0], $0xffff;
	[tilespmem:v48+s14+$0x0] =	vst.idx.msk $0xffff, v56;
	v48 =	vor.u32 v12, v34;
	v56 =	vor.u32 v11, v44  }
0x71: {  	v59 =	vor.u32 v12, v37;
	[tilespmem:v49+s14+$0x0] =	vst.idx.msk $0xffff, v50;
	v50 =	vor.u32 v3, v25;
	v58 =	vld.idx.msk [tilespmem:v58+s24+$0x0], $0xffff  }
0x72: {  	v60 =	vor.u32 v4, v29;
	v61 =	vor.u32 v3, v21;
	v49 =	vld.idx.msk [tilespmem:v52+s24+$0x0], $0xffff;
	[tilespmem:v53+s14+$0x0] =	vst.idx.msk $0xffff, v57  }
.Ltmp0:
0x73: {  	v37 =	vor.u32 v3, v27;
	v38 =	vor.u32 v4, v33;
	v39 =	vld.idx.msk [tilespmem:v45+s24+$0x0], $0xffff;
	[tilespmem:v54+s14+$0x0] =	vst.idx.msk $0xffff, v46;
	(pc) =	sbr.rel @p0 .LBB2_3-.Ltmp0, $4  }
0x74: {  	v51 =	vor.u32 v4, v30;
	v52 =	vor.u32 v3, v26;
	[tilespmem:v40+s14+$0x0] =	vst.idx.msk $0xffff, v47;
	v45 =	vld.idx.msk [tilespmem:v41+s24+$0x0], $0xffff  }
0x75: {  	v53 =	vor.u32 v4, v32;
	v44 =	vld.idx.msk [tilespmem:v48+s24+$0x0], $0xffff;
	v48 =	vor.u32 v13, v19;
	[tilespmem:v56+s14+$0x0] =	vst.idx.msk $0xffff, v42  }
0x76: {  	v47 =	vor.u32 v13, v17;
	v41 =	vor.u32 v14, v36;
	[tilespmem:v50+s14+$0x0] =	vst.idx.msk $0xffff, v55;
	v40 =	vld.idx.msk [tilespmem:v59+s24+$0x0], $0xffff  }
0x77: {  	v46 =	vor.u32 v13, v35;
	v42 =	vor.u32 v14, v34;
	v50 =	vld.idx.msk [tilespmem:v60+s24+$0x0], $0xffff;
	[tilespmem:v61+s14+$0x0] =	vst.idx.msk $0xffff, v58  }
0x78: {  	_ =	sdelay $0x3  }
0x79: {  	[tilespmem:v52+s14+$0x0] =	vst.idx.msk $0xffff, v49  }
0x7a: {  	v35 =	vor.u32 v5, v26;
	v34 =	vld.idx.msk [tilespmem:v53+s24+$0x0], $0xffff  }
0x7b: {  	v36 =	vor.u32 v5, v25;
	v63 =	vor.u32 v6, v32  }
0x7c: {  	[tilespmem:v37+s14+$0x0] =	vst.idx.msk $0xffff, v43;
	v57 =	vld.idx.msk [tilespmem:v38+s24+$0x0], $0xffff;
	v58 =	vor.u32 v6, v29;
	v59 =	vor.u32 v5, v21  }
0x7d: {  	v60 =	vor.u32 v5, v27;
	v61 =	vor.u32 v6, v33;
	v51 =	vld.idx.msk [tilespmem:v51+s24+$0x0], $0xffff  }
0x7e: {  	v54 =	vor.u32 v6, v30  }
0x7f: {  	[tilespmem:v35+s14+$0x0] =	vst.idx.msk $0xffff, v34  }
0x80: {  	[tilespmem:v36+s14+$0x0] =	vst.idx.msk $0xffff, v50;
	v34 =	vor.u32 v7, v26;
	v35 =	vld.idx.msk [tilespmem:v63+s24+$0x0], $0xffff  }
0x81: {  	v62 =	vor.u32 v7, v25;
	v36 =	vor.u32 v8, v32;
	[tilespmem:v59+s14+$0x0] =	vst.idx.msk $0xffff, v57;
	v38 =	vld.idx.msk [tilespmem:v58+s24+$0x0], $0xffff  }
0x82: {  	v57 =	vor.u32 v8, v29;
	[tilespmem:v60+s14+$0x0] =	vst.idx.msk $0xffff, v51;
	v58 =	vld.idx.msk [tilespmem:v61+s24+$0x0], $0xffff;
	v63 =	vor.u32 v7, v21  }
0x83: {  	v59 =	vor.u32 v7, v27;
	v60 =	vor.u32 v8, v33;
	v52 =	vld.idx.msk [tilespmem:v54+s24+$0x0], $0xffff  }
0x84: {  	v61 =	vor.u32 v8, v30  }
0x85: {  	[tilespmem:v34+s14+$0x0] =	vst.idx.msk $0xffff, v35  }
0x86: {  	[tilespmem:v62+s14+$0x0] =	vst.idx.msk $0xffff, v38;
	v35 =	vor.u32 v9, v26;
	v34 =	vld.idx.msk [tilespmem:v36+s24+$0x0], $0xffff  }
0x87: {  	v62 =	vor.u32 v9, v25;
	[tilespmem:v63+s14+$0x0] =	vst.idx.msk $0xffff, v58;
	v63 =	vor.u32 v10, v32;
	v36 =	vld.idx.msk [tilespmem:v57+s24+$0x0], $0xffff  }
0x88: {  	v55 =	vor.u32 v10, v29;
	[tilespmem:v59+s14+$0x0] =	vst.idx.msk $0xffff, v52;
	v56 =	vld.idx.msk [tilespmem:v60+s24+$0x0], $0xffff;
	v57 =	vor.u32 v9, v21  }
0x89: {  	[tilespmem:v46+s14+$0x0] =	vst.idx.msk $0xffff, v39;
	v59 =	vor.u32 v9, v27;
	v58 =	vld.idx.msk [tilespmem:v61+s24+$0x0], $0xffff;
	v60 =	vor.u32 v10, v33  }
0x8a: {  	[tilespmem:v48+s14+$0x0] =	vst.idx.msk $0xffff, v45;
	v61 =	vor.u32 v10, v30  }
0x8b: {  	[tilespmem:v35+s14+$0x0] =	vst.idx.msk $0xffff, v34  }
0x8c: {  	[tilespmem:v62+s14+$0x0] =	vst.idx.msk $0xffff, v36;
	v62 =	vor.u32 v11, v26;
	v34 =	vld.idx.msk [tilespmem:v63+s24+$0x0], $0xffff  }
0x8d: {  	v52 =	vor.u32 v12, v32;
	[tilespmem:v57+s14+$0x0] =	vst.idx.msk $0xffff, v56;
	v36 =	vld.idx.msk [tilespmem:v55+s24+$0x0], $0xffff;
	v63 =	vor.u32 v11, v25  }
0x8e: {  	v53 =	vor.u32 v12, v29;
	[tilespmem:v59+s14+$0x0] =	vst.idx.msk $0xffff, v58;
	v54 =	vld.idx.msk [tilespmem:v60+s24+$0x0], $0xffff;
	v55 =	vor.u32 v11, v21  }
0x8f: {  	[tilespmem:v47+s14+$0x0] =	vst.idx.msk $0xffff, v44;
	v57 =	vor.u32 v11, v27;
	v58 =	vor.u32 v12, v33;
	v56 =	vld.idx.msk [tilespmem:v61+s24+$0x0], $0xffff  }
0x90: {  	v17 =	vor.u32 v15, v17;
	v42 =	vld.idx.msk [tilespmem:v42+s24+$0x0], $0xffff;
	[tilespmem:v20+s14+$0x0] =	vst.idx.msk $0xffff, v40;
	v20 =	vor.u32 v12, v30  }
0x91: {  	v19 =	vor.u32 v15, v19;
	v30 =	vld.idx.msk [tilespmem:v41+s24+$0x0], $0xffff;
	[tilespmem:v62+s14+$0x0] =	vst.idx.msk $0xffff, v34  }
0x92: {  	v59 =	vor.u32 v13, v26;
	[tilespmem:v63+s14+$0x0] =	vst.idx.msk $0xffff, v36;
	v34 =	vld.idx.msk [tilespmem:v52+s24+$0x0], $0xffff  }
0x93: {  	v60 =	vor.u32 v13, v25;
	v61 =	vor.u32 v14, v32;
	[tilespmem:v55+s14+$0x0] =	vst.idx.msk $0xffff, v54;
	v36 =	vld.idx.msk [tilespmem:v53+s24+$0x0], $0xffff  }
0x94: {  	v29 =	vor.u32 v14, v29;
	[tilespmem:v57+s14+$0x0] =	vst.idx.msk $0xffff, v56;
	v33 =	vld.idx.msk [tilespmem:v58+s24+$0x0], $0xffff  }
0x95: {  	[tilespmem:v17+s14+$0x0] =	vst.idx.msk $0xffff, v42;
	v17 =	vld.idx.msk [tilespmem:v20+s24+$0x0], $0xffff;
	v20 =	vor.u32 v13, v27  }
0x96: {  	v18 =	vld.idx.msk [tilespmem:v18+s24+$0x0], $0xffff;
	[tilespmem:v19+s14+$0x0] =	vst.idx.msk $0xffff, v30  }
0x97: {  	v16 =	vld.idx.msk [tilespmem:v16+s24+$0x0], $0xffff;
	[tilespmem:v59+s14+$0x0] =	vst.idx.msk $0xffff, v34  }
0x98: {  	v19 =	vor.u32 v15, v26;
	[tilespmem:v60+s14+$0x0] =	vst.idx.msk $0xffff, v36;
	v26 =	vld.idx.msk [tilespmem:v61+s24+$0x0], $0xffff  }
0x99: {  	v25 =	vor.u32 v15, v25;
	[tilespmem:v23+s14+$0x0] =	vst.idx.msk $0xffff, v33;
	v29 =	vld.idx.msk [tilespmem:v29+s24+$0x0], $0xffff  }
0x9a: {  	v21 =	vor.u32 v15, v21;
	[tilespmem:v20+s14+$0x0] =	vst.idx.msk $0xffff, v17;
	v17 =	vld.idx.msk [tilespmem:v24+s24+$0x0], $0xffff  }
0x9b: {  	[tilespmem:v31+s14+$0x0] =	vst.idx.msk $0xffff, v18;
	v18 =	vor.u32 v15, v27;
	v20 =	vld.idx.msk [tilespmem:v22+s24+$0x0], $0xffff  }
0x9c: {  	[tilespmem:v28+s14+$0x0] =	vst.idx.msk $0xffff, v16  }
0x9d: {  	s25 =	sshll.u32 s21, $0x13;
	[tilespmem:v19+s14+$0x0] =	vst.idx.msk $0xffff, v26  }
0x9e: {  	s25 =	sor.u32 s6, s25;
	[tilespmem:v25+s14+$0x0] =	vst.idx.msk $0xffff, v29  }
0x9f: {  	s25 =	sshrl.u32 s25, $0x3;
	[tilespmem:v21+s14+$0x0] =	vst.idx.msk $0xffff, v17  }
0xa0: {  	s23 =	sor.u32 $0x1, s23;
	s25 =	sadd.s32 s2, s25;
	[tilespmem:v18+s14+$0x0] =	vst.idx.msk $0xffff, v20  }
0xa1: {  	[hbm4b:s25+s15] =	stream.strided.scatter [tilespmem:s14], [sflag:$0x5], $0x2000, s16, s15, $0x38;
	[tilespmem:$0x1A400] =	vst v63  }
0xa2: {  	s25 =	sand.u32 $0x3, s23  }
0xa3: {  	p0 =	sgt.u32 s21, $0x61;
	s26 =	sadd.s32 $0x1, s25  }
0xa4: {  	s28 =	sshll.u32 @!p0 s21, $0x8;
	_ =	swait.ge [sflag:s26], $0x4000  }
0xa5: {  	s28 =	sand.u32 @!p0 $0x3FFFFF00, s28;
	[sflag:s26] =	ssyncset.done $0x0  }
0xa6: {  	[sflag:s26] =	ssyncadd.s32 $0xFFFFC000;
	s26 =	sadd.s32 @!p0 $0x200, s28;
	s28 =	simm.s32 @!p0 $0x80  }
0xa7: {  	[tilespmem:s24], [sflag:s22] =	stream.indirect.gather @!p0 [hbm4b:s4+s28], $0x80, s26, s28, $0xb8;
	[tilespmem:$0x1A400] =	vst v63  }
0xa8: {  	s28 =	simm.s32 $0x2  }
0xa9: {  	s29 =	simm.s32 $0x0;
	s30 =	simm.s32 $0x1;
	v16 =	vadd.s32 s28, v0  }
0xaa: {  	s31 =	simm.s32 $0x3;
	v17 =	vadd.s32 s29, v0;
	v18 =	vadd.s32 s30, v0;
	s24 =	sand.u32 $0x30, s29;
	v16 =	vand.u32 $0xF, v16  }
0xab: {  	v19 =	vadd.s32 s31, v0;
	v18 =	vand.u32 $0xF, v18;
	v34 =	vor.u32 s24, v16  }
0xac: {  	p1 =	seq.s32 @!p0 s21, $0x0;
	v38 =	vor.u32 s24, v18;
	v16 =	vand.u32 $0xF, v19;
	v18 =	vor.u32 v1, v34  }
0xad: {  	p0 =	por p0, !p1;
	v37 =	vor.u32 s24, v16;
	v16 =	vand.u32 $0xF, v17;
	v17 =	vor.u32 v1, v38  }
0xae: {  	_ =	swait.ge @p0 [sflag:s19], $0x2000;
	v35 =	vor.u32 s24, v16;
	v16 =	vor.u32 v1, v37  }
0xaf: {  	s26 =	sshll.u32 s25, $0xE;
	[sflag:s19] =	ssyncset.done @p0 $0x0;
	v20 =	vor.u32 v1, v35  }
0xb0: {  	s22 =	sadd.s32 $0x6400, s26;
	[sflag:s19] =	ssyncadd.s32 @p0 $0xFFFFE000;
	v19 =	vshll.u32 v34, $0x7  }
0xb1: {  	v36 =	vshll.u32 v38, $0x7;
	v21 =	vor.u32 v0, v19;
	v18 =	vld.idx.msk [tilespmem:v18+s22+$0x0], $0xffff  }
0xb2: {  	v24 =	vor.u32 v0, v36;
	v23 =	vor.u32 v2, v34;
	v39 =	vshll.u32 v37, $0x7;
	v22 =	vld.idx.msk [tilespmem:v17+s22+$0x0], $0xffff  }
0xb3: {  	v25 =	vor.u32 v2, v38;
	v26 =	vor.u32 v0, v39;
	v17 =	vshll.u32 v35, $0x7;
	v16 =	vld.idx.msk [tilespmem:v16+s22+$0x0], $0xffff  }
0xb4: {  	v28 =	vor.u32 v2, v37;
	v27 =	vor.u32 v0, v17;
	v20 =	vld.idx.msk [tilespmem:v20+s22+$0x0], $0xffff  }
0xb5: {  	v29 =	vor.u32 v2, v35  }
0xb6: {  	[tilespmem:v21+s17+$0x0] =	vst.idx.msk $0xffff, v18  }
0xb7: {  	[tilespmem:v24+s17+$0x0] =	vst.idx.msk $0xffff, v22;
	v21 =	vor.u32 v3, v19;
	v18 =	vld.idx.msk [tilespmem:v23+s22+$0x0], $0xffff  }
0xb8: {  	v24 =	vor.u32 v3, v36;
	v22 =	vld.idx.msk [tilespmem:v25+s22+$0x0], $0xffff;
	[tilespmem:v26+s17+$0x0] =	vst.idx.msk $0xffff, v16;
	v23 =	vor.u32 v4, v34  }
0xb9: {  	v26 =	vor.u32 v3, v39;
	[tilespmem:v27+s17+$0x0] =	vst.idx.msk $0xffff, v20;
	v25 =	vld.idx.msk [tilespmem:v28+s22+$0x0], $0xffff;
	v27 =	vor.u32 v4, v38  }
0xba: {  	v28 =	vld.idx.msk [tilespmem:v29+s22+$0x0], $0xffff;
	v29 =	vor.u32 v3, v17  }
0xbb: {  	s29 =	simm.s32 $0x4;
	v30 =	vor.u32 v4, v35  }
0xbc: {  	v51 =	vadd.s32 s29, v0;
	v40 =	vor.u32 v8, v38;
	[tilespmem:v21+s17+$0x0] =	vst.idx.msk $0xffff, v18;
	v21 =	vor.u32 v4, v37  }
0xbd: {  	v54 =	vand.u32 $0xF, v51;
	[tilespmem:v24+s17+$0x0] =	vst.idx.msk $0xffff, v22;
	v22 =	vor.u32 v5, v19;
	v23 =	vld.idx.msk [tilespmem:v23+s22+$0x0], $0xffff  }
0xbe: {  	s28 =	simm.s32 $0x5;
	s25 =	sand.u32 $0x30, s29;
	[tilespmem:v26+s17+$0x0] =	vst.idx.msk $0xffff, v25;
	v24 =	vld.idx.msk [tilespmem:v27+s22+$0x0], $0xffff;
	v25 =	vor.u32 v5, v36;
	v26 =	vor.u32 v6, v34  }
0xbf: {  	v50 =	vadd.s32 s28, v0;
	v32 =	vor.u32 s25, v54;
	v27 =	vor.u32 v6, v38;
	[tilespmem:v29+s17+$0x0] =	vst.idx.msk $0xffff, v28  }
0xc0: {  	v58 =	vor.u32 v1, v32;
	v61 =	vor.u32 v8, v37;
	v31 =	vor.u32 v5, v17;
	v30 =	vld.idx.msk [tilespmem:v30+s22+$0x0], $0xffff  }
0xc1: {  	v62 =	vor.u32 v6, v35;
	v41 =	vor.u32 v7, v39;
	v29 =	vor.u32 v5, v39;
	v21 =	vld.idx.msk [tilespmem:v21+s22+$0x0], $0xffff  }
0xc2: {  	v33 =	vand.u32 $0xF, v50;
	v50 =	vor.u32 v11, v39;
	[tilespmem:v22+s17+$0x0] =	vst.idx.msk $0xffff, v23;
	v23 =	vor.u32 v6, v37  }
0xc3: {  	v63 =	vor.u32 v7, v17;
	[tilespmem:v25+s17+$0x0] =	vst.idx.msk $0xffff, v24;
	v25 =	vld.idx.msk [tilespmem:v26+s22+$0x0], $0xffff;
	v26 =	vor.u32 v7, v19  }
0xc4: {  	v43 =	vor.u32 v9, v17;
	v22 =	vor.u32 v8, v34;
	v24 =	vor.u32 v7, v36;
	v52 =	vld.idx.msk [tilespmem:v27+s22+$0x0], $0xffff  }
0xc5: {  	s30 =	simm.s32 $0x6;
	s31 =	simm.s32 $0x7;
	v16 =	vor.u32 v14, v38;
	v20 =	vor.u32 v13, v39;
	[tilespmem:v31+s17+$0x0] =	vst.idx.msk $0xffff, v30;
	v30 =	vor.u32 s25, v33  }
0xc6: {  	v53 =	vadd.s32 s31, v0;
	v27 =	vadd.s32 s30, v0;
	v31 =	vld.idx.msk [tilespmem:v62+s22+$0x0], $0xffff;
	v55 =	vor.u32 v1, v30;
	[tilespmem:v29+s17+$0x0] =	vst.idx.msk $0xffff, v21  }
0xc7: {  	v18 =	vor.u32 v14, v37;
	v28 =	vor.u32 v8, v35;
	v27 =	vand.u32 $0xF, v27;
	v56 =	vld.idx.msk [tilespmem:v23+s22+$0x0], $0xffff  }
0xc8: {  	v62 =	vor.u32 v9, v19;
	v21 =	vand.u32 $0xF, v53;
	v29 =	vor.u32 s25, v27;
	[tilespmem:v26+s17+$0x0] =	vst.idx.msk $0xffff, v25  }
0xc9: {  	v33 =	vor.u32 s25, v21;
	v57 =	vor.u32 v1, v29;
	[tilespmem:v24+s17+$0x0] =	vst.idx.msk $0xffff, v52;
	v60 =	vld.idx.msk [tilespmem:v22+s22+$0x0], $0xffff  }
0xca: {  	v49 =	vor.u32 v2, v30;
	v51 =	vor.u32 v4, v30;
	v59 =	vor.u32 v1, v33;
	v40 =	vld.idx.msk [tilespmem:v40+s22+$0x0], $0xffff  }
0xcb: {  	v27 =	vshll.u32 v30, $0x7;
	[tilespmem:v63+s17+$0x0] =	vst.idx.msk $0xffff, v31;
	v42 =	vld.idx.msk [tilespmem:v55+s22+$0x0], $0xffff;
	v31 =	vor.u32 v9, v36  }
0xcc: {  	v52 =	vor.u32 v0, v27;
	[tilespmem:v41+s17+$0x0] =	vst.idx.msk $0xffff, v56;
	v41 =	vld.idx.msk [tilespmem:v28+s22+$0x0], $0xffff;
	v28 =	vor.u32 v10, v38  }
0xcd: {  	v47 =	vld.idx.msk [tilespmem:v58+s22+$0x0], $0xffff;
	v53 =	vor.u32 v10, v35;
	v25 =	vshll.u32 v29, $0x7;
	v63 =	vor.u32 v10, v34  }
0xce: {  	v21 =	vshll.u32 v33, $0x7;
	v26 =	vshll.u32 v32, $0x7;
	v45 =	vor.u32 v0, v25;
	v46 =	vld.idx.msk [tilespmem:v57+s22+$0x0], $0xffff  }
0xcf: {  	v24 =	vor.u32 v14, v33;
	v55 =	vor.u32 v0, v21;
	v48 =	vld.idx.msk [tilespmem:v59+s22+$0x0], $0xffff;
	[tilespmem:v62+s17+$0x0] =	vst.idx.msk $0xffff, v60  }
0xd0: {  	v44 =	vld.idx.msk [tilespmem:v61+s22+$0x0], $0xffff;
	v61 =	vor.u32 v2, v29;
	v60 =	vor.u32 v9, v39;
	[tilespmem:v31+s17+$0x0] =	vst.idx.msk $0xffff, v40  }
0xd1: {  	v58 =	vor.u32 v2, v33;
	v57 =	vor.u32 v0, v26;
	[tilespmem:v52+s17+$0x0] =	vst.idx.msk $0xffff, v42;
	v56 =	vld.idx.msk [tilespmem:v28+s22+$0x0], $0xffff  }
0xd2: {  	v22 =	vor.u32 v14, v30;
	v62 =	vor.u32 v10, v37;
	[tilespmem:v43+s17+$0x0] =	vst.idx.msk $0xffff, v41;
	v41 =	vld.idx.msk [tilespmem:v63+s22+$0x0], $0xffff  }
0xd3: {  	v52 =	vor.u32 v11, v36;
	v63 =	vor.u32 v2, v32;
	v43 =	vld.idx.msk [tilespmem:v49+s22+$0x0], $0xffff;
	[tilespmem:v45+s17+$0x0] =	vst.idx.msk $0xffff, v46  }
0xd4: {  	v59 =	vor.u32 v11, v19;
	v42 =	vld.idx.msk [tilespmem:v53+s22+$0x0], $0xffff;
	v53 =	vor.u32 v12, v38;
	[tilespmem:v55+s17+$0x0] =	vst.idx.msk $0xffff, v48  }
0xd5: {  	v45 =	vor.u32 v12, v34;
	v46 =	vld.idx.msk [tilespmem:v61+s22+$0x0], $0xffff;
	[tilespmem:v60+s17+$0x0] =	vst.idx.msk $0xffff, v44;
	v44 =	vor.u32 v11, v17  }
0xd6: {  	[tilespmem:v57+s17+$0x0] =	vst.idx.msk $0xffff, v47;
	v47 =	vor.u32 v3, v25;
	v48 =	vor.u32 v12, v35;
	v60 =	vld.idx.msk [tilespmem:v58+s22+$0x0], $0xffff  }
0xd7: {  	v23 =	vor.u32 v13, v21;
	v31 =	vor.u32 v15, v39;
	v40 =	vld.idx.msk [tilespmem:v62+s22+$0x0], $0xffff;
	v62 =	vor.u32 v4, v29  }
0xd8: {  	v61 =	vor.u32 v12, v37;
	v49 =	vld.idx.msk [tilespmem:v63+s22+$0x0], $0xffff;
	v63 =	vor.u32 v3, v21;
	[tilespmem:v52+s17+$0x0] =	vst.idx.msk $0xffff, v56  }
0xd9: {  	v28 =	vor.u32 v15, v36;
	v37 =	vor.u32 v3, v27;
	[tilespmem:v59+s17+$0x0] =	vst.idx.msk $0xffff, v41;
	v39 =	vld.idx.msk [tilespmem:v53+s22+$0x0], $0xffff  }
0xda: {  	v38 =	vor.u32 v4, v33;
	v52 =	vor.u32 v3, v26;
	v45 =	vld.idx.msk [tilespmem:v45+s22+$0x0], $0xffff;
	[tilespmem:v44+s17+$0x0] =	vst.idx.msk $0xffff, v42  }
0xdb: {  	v41 =	vor.u32 v14, v34;
	v53 =	vor.u32 v4, v32;
	[tilespmem:v47+s17+$0x0] =	vst.idx.msk $0xffff, v46;
	v44 =	vld.idx.msk [tilespmem:v48+s22+$0x0], $0xffff  }
0xdc: {  	v47 =	vor.u32 v13, v17;
	v48 =	vor.u32 v13, v19;
	[tilespmem:v50+s17+$0x0] =	vst.idx.msk $0xffff, v40;
	v50 =	vld.idx.msk [tilespmem:v62+s22+$0x0], $0xffff  }
0xdd: {  	s24 =	simm.s32 $0x8;
	v46 =	vor.u32 v13, v36;
	v42 =	vor.u32 v14, v35;
	v40 =	vld.idx.msk [tilespmem:v61+s22+$0x0], $0xffff;
	[tilespmem:v63+s17+$0x0] =	vst.idx.msk $0xffff, v60  }
.LBB2_5:
0xde: {  	[tilespmem:v37+s17+$0x0] =	vst.idx.msk $0xffff, v43;
	v54 =	vor.u32 v15, v17;
	v19 =	vor.u32 v15, v19  }
0xdf: {  	p0 =	slt.u32 s24, $0x3C;
	v43 =	vld.idx.msk [tilespmem:v38+s22+$0x0], $0xffff;
	v38 =	vmovc v30;
	v36 =	vmovc v29;
	v37 =	vmov v33;
	v34 =	vmov v32;
	v35 =	vmov v27;
	s25 =	smov.u32 s24;
	s24 =	sadd.s32 $0x4, s24  }
0xe0: {  	v27 =	vor.u32 v5, v25;
	[tilespmem:v52+s17+$0x0] =	vst.idx.msk $0xffff, v49;
	v49 =	vor.u32 v8, v34;
	v17 =	vld.idx.msk [tilespmem:v51+s22+$0x0], $0xffff  }
0xe1: {  	v30 =	vor.u32 v5, v35;
	v32 =	vor.u32 v6, v36;
	v29 =	vld.idx.msk [tilespmem:v53+s22+$0x0], $0xffff;
	[tilespmem:v48+s17+$0x0] =	vst.idx.msk $0xffff, v45  }
0xe2: {  	v33 =	vor.u32 v6, v38;
	v45 =	vor.u32 v5, v21;
	[tilespmem:v47+s17+$0x0] =	vst.idx.msk $0xffff, v44;
	v41 =	vld.idx.msk [tilespmem:v41+s22+$0x0], $0xffff  }
0xe3: {  	v44 =	vor.u32 v5, v26;
	v47 =	vor.u32 v8, v38;
	v42 =	vld.idx.msk [tilespmem:v42+s22+$0x0], $0xffff;
	[tilespmem:v46+s17+$0x0] =	vst.idx.msk $0xffff, v39  }
0xe4: {  	v39 =	vor.u32 v6, v34;
	v46 =	vor.u32 v7, v21;
	v48 =	vld.idx.msk [tilespmem:v16+s22+$0x0], $0xffff;
	[tilespmem:v20+s17+$0x0] =	vst.idx.msk $0xffff, v40  }
0xe5: {  	v40 =	vor.u32 v8, v36;
	[tilespmem:v27+s17+$0x0] =	vst.idx.msk $0xffff, v50;
	v27 =	vor.u32 v6, v37;
	v18 =	vld.idx.msk [tilespmem:v18+s22+$0x0], $0xffff  }
0xe6: {  	v51 =	vor.u32 v7, v35;
	v50 =	vor.u32 v7, v26;
	[tilespmem:v30+s17+$0x0] =	vst.idx.msk $0xffff, v17;
	v52 =	vld.idx.msk [tilespmem:v32+s22+$0x0], $0xffff  }
0xe7: {  	v55 =	vor.u32 v7, v25;
	s26 =	sadd.s32 $0x1, s25;
	s28 =	sadd.s32 $0x2, s25;
	s29 =	sadd.s32 $0x3, s25;
	v32 =	vadd.s32 s25, v0;
	v17 =	vmov v26;
	v53 =	vld.idx.msk [tilespmem:v33+s22+$0x0], $0xffff;
	[tilespmem:v45+s17+$0x0] =	vst.idx.msk $0xffff, v43  }
0xe8: {  	v16 =	vmovc v22;
	v26 =	vadd.s32 s28, v0;
	v30 =	vadd.s32 s29, v0;
	v33 =	vadd.s32 s26, v0;
	[tilespmem:v44+s17+$0x0] =	vst.idx.msk $0xffff, v29;
	v44 =	vmovc v21  }
0xe9: {  	v20 =	vmovc v23;
	s25 =	sand.u32 $0x30, s25;
	v22 =	vand.u32 $0xF, v26;
	v26 =	vand.u32 $0xF, v30;
	v21 =	vand.u32 $0xF, v33;
	v39 =	vld.idx.msk [tilespmem:v39+s22+$0x0], $0xffff;
	[tilespmem:v54+s17+$0x0] =	vst.idx.msk $0xffff, v42  }
0xea: {  	v29 =	vor.u32 s25, v22;
	v33 =	vor.u32 s25, v26;
	v30 =	vor.u32 s25, v21;
	v42 =	vld.idx.msk [tilespmem:v27+s22+$0x0], $0xffff;
	[tilespmem:v19+s17+$0x0] =	vst.idx.msk $0xffff, v41;
	v19 =	vmovc v25  }
0xeb: {  	v21 =	vand.u32 $0xF, v32;
	v25 =	vor.u32 v1, v30;
	v41 =	vor.u32 v1, v29;
	[tilespmem:v31+s17+$0x0] =	vst.idx.msk $0xffff, v18  }
0xec: {  	v32 =	vor.u32 s25, v21;
	v27 =	vshll.u32 v30, $0x7;
	v31 =	vor.u32 v1, v33;
	v18 =	vmovc v24;
	[tilespmem:v55+s17+$0x0] =	vst.idx.msk $0xffff, v52  }
0xed: {  	v21 =	vshll.u32 v33, $0x7;
	v43 =	vor.u32 v1, v32;
	v26 =	vshll.u32 v32, $0x7;
	v40 =	vld.idx.msk [tilespmem:v40+s22+$0x0], $0xffff;
	[tilespmem:v28+s17+$0x0] =	vst.idx.msk $0xffff, v48  }
0xee: {  	v45 =	vor.u32 v8, v37;
	v28 =	vor.u32 v9, v19;
	[tilespmem:v51+s17+$0x0] =	vst.idx.msk $0xffff, v53  }
0xef: {  	v22 =	vor.u32 v14, v30;
	v23 =	vor.u32 v13, v21;
	[tilespmem:v50+s17+$0x0] =	vst.idx.msk $0xffff, v39;
	v39 =	vld.idx.msk [tilespmem:v47+s22+$0x0], $0xffff  }
0xf0: {  	v48 =	vor.u32 v9, v35;
	v47 =	vld.idx.msk [tilespmem:v25+s22+$0x0], $0xffff;
	v25 =	vshll.u32 v29, $0x7;
	[tilespmem:v46+s17+$0x0] =	vst.idx.msk $0xffff, v42  }
0xf1: {  	v24 =	vor.u32 v14, v33;
	v42 =	vor.u32 v0, v25;
	v46 =	vld.idx.msk [tilespmem:v49+s22+$0x0], $0xffff;
	v49 =	vor.u32 v10, v38  }
0xf2: {  	v52 =	vor.u32 v10, v36;
	v51 =	vor.u32 v2, v29;
	v50 =	vld.idx.msk [tilespmem:v43+s22+$0x0], $0xffff;
	v43 =	vor.u32 v9, v17  }
0xf3: {  	v54 =	vor.u32 v10, v34;
	v53 =	vor.u32 v0, v27;
	[tilespmem:v28+s17+$0x0] =	vst.idx.msk $0xffff, v40;
	v40 =	vld.idx.msk [tilespmem:v45+s22+$0x0], $0xffff  }
0xf4: {  	v55 =	vor.u32 v9, v44;
	v45 =	vor.u32 v2, v30;
	v41 =	vld.idx.msk [tilespmem:v41+s22+$0x0], $0xffff  }
0xf5: {  	v56 =	vld.idx.msk [tilespmem:v31+s22+$0x0], $0xffff;
	[tilespmem:v48+s17+$0x0] =	vst.idx.msk $0xffff, v39;
	v39 =	vor.u32 v10, v37  }
0xf6: {  	v28 =	vor.u32 v15, v35;
	v48 =	vor.u32 v0, v21;
	v31 =	vor.u32 v15, v44;
	v57 =	vld.idx.msk [tilespmem:v49+s22+$0x0], $0xffff  }
0xf7: {  	v58 =	vor.u32 v2, v33;
	v49 =	vor.u32 v0, v26;
	[tilespmem:v43+s17+$0x0] =	vst.idx.msk $0xffff, v46;
	v46 =	vld.idx.msk [tilespmem:v52+s22+$0x0], $0xffff  }
0xf8: {  	v52 =	vor.u32 v2, v32;
	[tilespmem:v53+s17+$0x0] =	vst.idx.msk $0xffff, v47;
	v47 =	vld.idx.msk [tilespmem:v54+s22+$0x0], $0xffff;
	v53 =	vor.u32 v11, v35  }
0xf9: {  	v54 =	vor.u32 v11, v19;
	v43 =	vld.idx.msk [tilespmem:v45+s22+$0x0], $0xffff;
	v45 =	vor.u32 v12, v38;
	[tilespmem:v55+s17+$0x0] =	vst.idx.msk $0xffff, v40  }
0xfa: {  	v40 =	vor.u32 v11, v17;
	[tilespmem:v42+s17+$0x0] =	vst.idx.msk $0xffff, v41;
	v41 =	vor.u32 v12, v36;
	v42 =	vld.idx.msk [tilespmem:v39+s22+$0x0], $0xffff  }
0xfb: {  	v55 =	vld.idx.msk [tilespmem:v51+s22+$0x0], $0xffff;
	[tilespmem:v48+s17+$0x0] =	vst.idx.msk $0xffff, v56;
	v48 =	vor.u32 v12, v34;
	v56 =	vor.u32 v11, v44  }
0xfc: {  	v59 =	vor.u32 v12, v37;
	[tilespmem:v49+s17+$0x0] =	vst.idx.msk $0xffff, v50;
	v50 =	vor.u32 v3, v25;
	v58 =	vld.idx.msk [tilespmem:v58+s22+$0x0], $0xffff  }
0xfd: {  	v60 =	vor.u32 v4, v29;
	v61 =	vor.u32 v3, v21;
	v49 =	vld.idx.msk [tilespmem:v52+s22+$0x0], $0xffff;
	[tilespmem:v53+s17+$0x0] =	vst.idx.msk $0xffff, v57  }
.Ltmp1:
0xfe: {  	v37 =	vor.u32 v3, v27;
	v38 =	vor.u32 v4, v33;
	v39 =	vld.idx.msk [tilespmem:v45+s22+$0x0], $0xffff;
	[tilespmem:v54+s17+$0x0] =	vst.idx.msk $0xffff, v46;
	(pc) =	sbr.rel @p0 .LBB2_5-.Ltmp1, $4  }
0xff: {  	v51 =	vor.u32 v4, v30;
	v52 =	vor.u32 v3, v26;
	[tilespmem:v40+s17+$0x0] =	vst.idx.msk $0xffff, v47;
	v45 =	vld.idx.msk [tilespmem:v41+s22+$0x0], $0xffff  }
0x100: {  	v53 =	vor.u32 v4, v32;
	v44 =	vld.idx.msk [tilespmem:v48+s22+$0x0], $0xffff;
	v48 =	vor.u32 v13, v19;
	[tilespmem:v56+s17+$0x0] =	vst.idx.msk $0xffff, v42  }
0x101: {  	v47 =	vor.u32 v13, v17;
	v41 =	vor.u32 v14, v36;
	[tilespmem:v50+s17+$0x0] =	vst.idx.msk $0xffff, v55;
	v40 =	vld.idx.msk [tilespmem:v59+s22+$0x0], $0xffff  }
0x102: {  	v46 =	vor.u32 v13, v35;
	v42 =	vor.u32 v14, v34;
	v50 =	vld.idx.msk [tilespmem:v60+s22+$0x0], $0xffff;
	[tilespmem:v61+s17+$0x0] =	vst.idx.msk $0xffff, v58  }
0x103: {  	_ =	sdelay $0x3  }
0x104: {  	[tilespmem:v52+s17+$0x0] =	vst.idx.msk $0xffff, v49  }
0x105: {  	v35 =	vor.u32 v5, v26;
	v34 =	vld.idx.msk [tilespmem:v53+s22+$0x0], $0xffff  }
0x106: {  	v36 =	vor.u32 v5, v25;
	v60 =	vor.u32 v6, v32  }
0x107: {  	[tilespmem:v37+s17+$0x0] =	vst.idx.msk $0xffff, v43;
	v61 =	vld.idx.msk [tilespmem:v38+s22+$0x0], $0xffff;
	v62 =	vor.u32 v6, v29;
	v63 =	vor.u32 v5, v21  }
0x108: {  	v57 =	vor.u32 v5, v27;
	v58 =	vor.u32 v6, v33;
	v51 =	vld.idx.msk [tilespmem:v51+s22+$0x0], $0xffff  }
0x109: {  	v54 =	vor.u32 v6, v30  }
0x10a: {  	[tilespmem:v35+s17+$0x0] =	vst.idx.msk $0xffff, v34  }
0x10b: {  	[tilespmem:v36+s17+$0x0] =	vst.idx.msk $0xffff, v50;
	v34 =	vor.u32 v7, v26;
	v35 =	vld.idx.msk [tilespmem:v60+s22+$0x0], $0xffff  }
0x10c: {  	v59 =	vor.u32 v7, v25;
	v36 =	vor.u32 v8, v32;
	[tilespmem:v63+s17+$0x0] =	vst.idx.msk $0xffff, v61;
	v38 =	vld.idx.msk [tilespmem:v62+s22+$0x0], $0xffff  }
0x10d: {  	v61 =	vor.u32 v8, v29;
	[tilespmem:v57+s17+$0x0] =	vst.idx.msk $0xffff, v51;
	v62 =	vld.idx.msk [tilespmem:v58+s22+$0x0], $0xffff;
	v60 =	vor.u32 v7, v21  }
0x10e: {  	v63 =	vor.u32 v7, v27;
	v57 =	vor.u32 v8, v33;
	v52 =	vld.idx.msk [tilespmem:v54+s22+$0x0], $0xffff  }
0x10f: {  	v58 =	vor.u32 v8, v30  }
0x110: {  	[tilespmem:v34+s17+$0x0] =	vst.idx.msk $0xffff, v35  }
0x111: {  	[tilespmem:v59+s17+$0x0] =	vst.idx.msk $0xffff, v38;
	v35 =	vor.u32 v9, v26;
	v34 =	vld.idx.msk [tilespmem:v36+s22+$0x0], $0xffff  }
0x112: {  	v59 =	vor.u32 v9, v25;
	[tilespmem:v60+s17+$0x0] =	vst.idx.msk $0xffff, v62;
	v60 =	vor.u32 v10, v32;
	v36 =	vld.idx.msk [tilespmem:v61+s22+$0x0], $0xffff  }
0x113: {  	[tilespmem:v63+s17+$0x0] =	vst.idx.msk $0xffff, v52;
	v63 =	vor.u32 v9, v21;
	v61 =	vor.u32 v10, v29;
	v62 =	vld.idx.msk [tilespmem:v57+s22+$0x0], $0xffff  }
0x114: {  	v56 =	vor.u32 v9, v27;
	[tilespmem:v46+s17+$0x0] =	vst.idx.msk $0xffff, v39;
	v55 =	vld.idx.msk [tilespmem:v58+s22+$0x0], $0xffff;
	v57 =	vor.u32 v10, v33  }
0x115: {  	[tilespmem:v48+s17+$0x0] =	vst.idx.msk $0xffff, v45;
	v58 =	vor.u32 v10, v30  }
0x116: {  	[tilespmem:v35+s17+$0x0] =	vst.idx.msk $0xffff, v34  }
0x117: {  	[tilespmem:v59+s17+$0x0] =	vst.idx.msk $0xffff, v36;
	v59 =	vor.u32 v11, v26;
	v34 =	vld.idx.msk [tilespmem:v60+s22+$0x0], $0xffff  }
0x118: {  	[tilespmem:v63+s17+$0x0] =	vst.idx.msk $0xffff, v62;
	v36 =	vld.idx.msk [tilespmem:v61+s22+$0x0], $0xffff;
	v60 =	vor.u32 v11, v25;
	v61 =	vor.u32 v12, v32  }
0x119: {  	v48 =	vor.u32 v11, v21;
	[tilespmem:v56+s17+$0x0] =	vst.idx.msk $0xffff, v55;
	v62 =	vor.u32 v12, v29;
	v63 =	vld.idx.msk [tilespmem:v57+s22+$0x0], $0xffff  }
0x11a: {  	[tilespmem:v47+s17+$0x0] =	vst.idx.msk $0xffff, v44;
	v50 =	vor.u32 v11, v27;
	v51 =	vor.u32 v12, v33;
	v49 =	vld.idx.msk [tilespmem:v58+s22+$0x0], $0xffff  }
0x11b: {  	v17 =	vor.u32 v15, v17;
	v42 =	vld.idx.msk [tilespmem:v42+s22+$0x0], $0xffff;
	[tilespmem:v20+s17+$0x0] =	vst.idx.msk $0xffff, v40;
	v52 =	vor.u32 v12, v30  }
0x11c: {  	v16 =	vld.idx.msk [tilespmem:v16+s22+$0x0], $0xffff;
	[tilespmem:v59+s17+$0x0] =	vst.idx.msk $0xffff, v34  }
0x11d: {  	v54 =	vor.u32 v13, v26;
	[tilespmem:v60+s17+$0x0] =	vst.idx.msk $0xffff, v36;
	v34 =	vld.idx.msk [tilespmem:v61+s22+$0x0], $0xffff  }
0x11e: {  	v55 =	vor.u32 v13, v25;
	v56 =	vor.u32 v14, v32;
	[tilespmem:v48+s17+$0x0] =	vst.idx.msk $0xffff, v63;
	v36 =	vld.idx.msk [tilespmem:v62+s22+$0x0], $0xffff  }
0x11f: {  	v57 =	vor.u32 v14, v29;
	[tilespmem:v50+s17+$0x0] =	vst.idx.msk $0xffff, v49;
	v33 =	vld.idx.msk [tilespmem:v51+s22+$0x0], $0xffff  }
0x120: {  	[tilespmem:v17+s17+$0x0] =	vst.idx.msk $0xffff, v42;
	v58 =	vor.u32 v13, v27;
	v17 =	vld.idx.msk [tilespmem:v52+s22+$0x0], $0xffff  }
0x121: {  	v19 =	vor.u32 v15, v19;
	v53 =	vld.idx.msk [tilespmem:v41+s22+$0x0], $0xffff;
	[tilespmem:v28+s17+$0x0] =	vst.idx.msk $0xffff, v16  }
0x122: {  	v18 =	vld.idx.msk [tilespmem:v18+s22+$0x0], $0xffff;
	[tilespmem:v54+s17+$0x0] =	vst.idx.msk $0xffff, v34  }
0x123: {  	v59 =	vor.u32 v15, v26;
	[tilespmem:v55+s17+$0x0] =	vst.idx.msk $0xffff, v36;
	v60 =	vld.idx.msk [tilespmem:v56+s22+$0x0], $0xffff  }
0x124: {  	v61 =	vor.u32 v15, v25;
	[tilespmem:v23+s17+$0x0] =	vst.idx.msk $0xffff, v33;
	v29 =	vld.idx.msk [tilespmem:v57+s22+$0x0], $0xffff  }
0x125: {  	v62 =	vor.u32 v15, v21;
	[tilespmem:v58+s17+$0x0] =	vst.idx.msk $0xffff, v17;
	v17 =	vld.idx.msk [tilespmem:v24+s22+$0x0], $0xffff  }
0x126: {  	s21 =	sadd.s32 $0x1, s21;
	[tilespmem:v19+s17+$0x0] =	vst.idx.msk $0xffff, v53;
	v63 =	vor.u32 v15, v27;
	v20 =	vld.idx.msk [tilespmem:v22+s22+$0x0], $0xffff  }
0x127: {  	p0 =	sne.s32 s21, $0x64;
	[tilespmem:v31+s17+$0x0] =	vst.idx.msk $0xffff, v18  }
.Ltmp2:
0x128: {  	s31 =	sshll.u32 s23, $0x12;
	[tilespmem:v59+s17+$0x0] =	vst.idx.msk $0xffff, v60;
	(pc) =	sbr.rel @p0 .LBB2_2-.Ltmp2, $4  }
0x129: {  	s22 =	sor.u32 s6, s31;
	[tilespmem:v61+s17+$0x0] =	vst.idx.msk $0xffff, v29  }
0x12a: {  	s22 =	sshrl.u32 s22, $0x3;
	[tilespmem:v62+s17+$0x0] =	vst.idx.msk $0xffff, v17  }
0x12b: {  	s22 =	sadd.s32 s2, s22;
	[tilespmem:v63+s17+$0x0] =	vst.idx.msk $0xffff, v20  }
0x12c: {  	[hbm4b:s22+s15] =	stream.strided.scatter [tilespmem:s17], [sflag:$0x6], $0x2000, s16, s15, $0x38;
	[tilespmem:$0x1A400] =	vst v63  }
0x12d: {  	s20 =	sadd.s32 $0x1, s20  }
0x12e: {  	_ =	swait.ge [sflag:s18], $0x2000;
	p0 =	sne.s32 s20, s7  }
.Ltmp3:
0x12f: {  	[sflag:s18] =	ssyncset.done $0x0;
	(pc) =	sbr.rel @p0 .LBB2_1-.Ltmp3, $4  }
0x130: {  	[sflag:s18] =	ssyncadd.s32 $0xFFFFE000  }
0x131: {  	_ =	swait.ge [sflag:s19], $0x2000  }
0x132: {  	[sflag:s19] =	ssyncset.done $0x0  }
0x133: {  	[sflag:s19] =	ssyncadd.s32 $0xFFFFE000  }
0x134: {  	_ =	sfence.sel $0x180000  }
0x135: {  	[bflag:$0x0] =	sbarrier.arrive $0xFFFF  }
0x136: {  	p0 =	sne.s32 s0, $0x0;
	_ =	strace $0x90000047  }
0x137: {  	s0 =	sadd.s32 @!p0 $0x100000, s1;
	[bflag:$0x2] =	sbarrier.arrive $0xFFFF  }
0x138: {  	[sflag:s0] =	ssyncadd.tile.s32 @!p0 $0x1;
	_ =	shalt  }
.Lfunc_end2:
_tile_overlayer_lowered:
.L_overlay_start_2:
0x139: {  	(tag) =	ssettag $0x2  }
0x13a: {  	s0 =	rddreg [dreg:$0x0];
	s2 =	stileid.u32  }
0x13b: {  	s1 =	rddreg [dreg:$0x1];
	p0 =	sne.s32 s2, $0x0  }
0x13c: {  	s3 =	rddreg [dreg:$0x2];
	[bflag:$0x3] =	sbarrier.arrive $0xFFFF;
	s2 =	simm.s32 @!p0 $0x1C07  }
0x13d: {  	[timem:s3], [sflag:s2] =	dma.local @!p0 [hbm:s0], s1  }
0x13e: {  	s0 =	simm.s32 @!p0 $0x7  }
0x13f: {  	_ =	swait.ge @!p0 [sflag:s0], s1  }
0x140: {  	s1 =	ssub.s32 @!p0 $0x0, s1;
	[sflag:s0] =	ssyncset.done @!p0 $0x0  }
0x141: {  	[sflag:s0] =	ssyncadd.s32 @!p0 s1  }
0x142: {  	[bflag:$0x3] =	sbarrier.arrive $0xFFFF  }
0x143: {  	_ =	shalt  }

</sc_bundles>
